<compile_context>
chip_gen: v7x
topology: tpu7x:2x2x1
jax: 0.10.2.dev20260603
libtpu: 0.0.44.dev20260713+nightly
codegen_flags: <defaults>
</compile_context>

<pallas_src>
import functools

import jax
import jax.numpy as jnp
from jax import lax
from jax.experimental import pallas as pl
from jax.experimental.pallas import tpu as pltpu
from jax.experimental.pallas import tpu_sc as plsc


def _make_gather(V, D, B):
    info = plsc.get_sparse_core_info()
    NC, NS = info.num_cores, info.num_subcores
    NW = NC * NS
    assert B % NW == 0
    b_per_w = B // NW
    CH = 16
    NBUF = 7
    nchunk = b_per_w // CH
    assert nchunk >= NBUF

    mesh = plsc.VectorSubcoreMesh(core_axis_name="c", subcore_axis_name="s")

    @functools.partial(
        pl.kernel,
        mesh=mesh,
        out_type=jax.ShapeDtypeStruct((B, D), jnp.float32),
        scratch_types=[
            pltpu.VMEM((b_per_w,), jnp.int32),
            pltpu.VMEM((NBUF, CH, D), jnp.float32),
        ] + [pltpu.SemaphoreType.DMA] * (2 * NBUF),
    )
    def k(table_hbm, idx_hbm, out_hbm, idx_v, rows_v, *sems):
        wid = lax.axis_index("s") * NC + lax.axis_index("c")
        base = wid * b_per_w
        per_row = idx_hbm.shape[1] // b_per_w
        pltpu.sync_copy(
            idx_hbm.at[wid // per_row, pl.ds((wid % per_row) * b_per_w, b_per_w)],
            idx_v,
        )

        gsem = sems[:NBUF]
        wsem = sems[NBUF:]

        def gather_start(g):
            return pltpu.async_copy(
                table_hbm.at[idx_v.at[pl.ds(g * CH, CH)]],
                rows_v.at[g % NBUF],
                gsem[g % NBUF],
            )

        def write_start(g):
            return pltpu.async_copy(
                rows_v.at[g % NBUF],
                out_hbm.at[pl.ds(base + g * CH, CH)],
                wsem[g % NBUF],
            )

        g_h = {}
        w_h = {}
        for g in range(min(NBUF, nchunk)):
            g_h[g] = gather_start(g)
        for g in range(nchunk):
            nxt = g + NBUF - 1
            if NBUF <= nxt < nchunk:
                w_h[nxt - NBUF].wait()
                g_h[nxt] = gather_start(nxt)
            g_h[g].wait()
            w_h[g] = write_start(g)
        for g in range(max(0, nchunk - NBUF), nchunk):
            w_h[g].wait()

    return k


def kernel(x, W_E):
    s, V, D = W_E.shape
    b, c = x.shape
    B = b * c
    table = W_E.reshape(V, D)
    out = _make_gather(V, D, B)(table, x.astype(jnp.int32))
    return out.reshape(b, s, c, D)

# --- scband reference (transcript-rebuilt; emitter-appended) ---
"""Pipeline reference for scband-embed-group-5231270166610 (READ-ONLY COPY).

The authoritative reference and input builder live on the scoring server;
editing this copy changes nothing except your own understanding.
"""

import jax, jax.numpy as jnp
import numpy as np

SAMPLE_COUNT = 1
N_VOCAB = 100000
D_EMBED = 1024
WEIGHT_ALPHA = 1.0
BATCH = 4
SEQ = 2048


def setup_inputs(seed: int = 0) -> dict:
    key = jax.random.key(seed)
    k1, k2 = jax.random.split(key)
    x = jax.random.randint(k1, (BATCH, SEQ), 0, N_VOCAB, dtype=jnp.int64 if jax.config.jax_enable_x64 else jnp.int32)
    W_E = WEIGHT_ALPHA * jax.random.normal(k2, (SAMPLE_COUNT, N_VOCAB, D_EMBED), dtype=jnp.float32) / np.sqrt(D_EMBED)
    return {"x": x, "W_E": W_E}


def reference(x, W_E):
    # W_E[:, x] -> shape (s, b, c, e) where x has shape (b, c)
    out = jnp.take(W_E, x, axis=1)  # (s, b, c, e)
    # einops rearrange 's b c e -> b s c e'
    out = jnp.transpose(out, (1, 0, 2, 3))
    return out

if __name__ == "__main__":
    import jax
    _d = setup_inputs()
    print(jax.jit(kernel)(*tuple(_d.values())))

</pallas_src>

<mosaic_0001>
#map = affine_map<(d0, d1) -> (0, 0)>
module attributes {stable_mosaic.version = 14 : i64} {
  func.func @k(%arg0: i32, %arg1: i32, %arg2: memref<100000x1024xf32, #tpu.memory_space<hbm>>, %arg3: memref<4x2048xi32, #tpu.memory_space<hbm>>, %arg4: memref<8192x1024xf32, #tpu.memory_space<hbm>>, %arg5: memref<256xi32, #tpu.memory_space<vmem>>, %arg6: memref<7x16x1024xf32, #tpu.memory_space<vmem>>, %arg7: memref<!tpu.dma_semaphore, #tpu.memory_space<semaphore_mem>>, %arg8: memref<!tpu.dma_semaphore, #tpu.memory_space<semaphore_mem>>, %arg9: memref<!tpu.dma_semaphore, #tpu.memory_space<semaphore_mem>>, %arg10: memref<!tpu.dma_semaphore, #tpu.memory_space<semaphore_mem>>, %arg11: memref<!tpu.dma_semaphore, #tpu.memory_space<semaphore_mem>>, %arg12: memref<!tpu.dma_semaphore, #tpu.memory_space<semaphore_mem>>, %arg13: memref<!tpu.dma_semaphore, #tpu.memory_space<semaphore_mem>>, %arg14: memref<!tpu.dma_semaphore, #tpu.memory_space<semaphore_mem>>, %arg15: memref<!tpu.dma_semaphore, #tpu.memory_space<semaphore_mem>>, %arg16: memref<!tpu.dma_semaphore, #tpu.memory_space<semaphore_mem>>, %arg17: memref<!tpu.dma_semaphore, #tpu.memory_space<semaphore_mem>>, %arg18: memref<!tpu.dma_semaphore, #tpu.memory_space<semaphore_mem>>, %arg19: memref<!tpu.dma_semaphore, #tpu.memory_space<semaphore_mem>>, %arg20: memref<!tpu.dma_semaphore, #tpu.memory_space<semaphore_mem>>) attributes {dimension_semantics = [#tpu.dimension_semantics<core_parallel>, #tpu.dimension_semantics<subcore_parallel>], iteration_bounds = array<i64: 2, 16>, scalar_prefetch = 0 : i64, scratch_operands = 16 : i64, tpu.core_type = #tpu.core_type<sc_vector_subcore>, window_params = [{transform_indices = #map}, {transform_indices = #map}, {transform_indices = #map}]} {
    %mul3A = arith.constant 2 : i32
    %mul3A_0 = arith.muli %arg1, %mul3A : i32
    %add3A = arith.addi %mul3A_0, %arg0 : i32
    %mul3A_1 = arith.constant 256 : i32
    %mul3A_2 = arith.muli %add3A, %mul3A_1 : i32
    %jit3A = arith.constant 8 : i32
    %div3A = arith.divsi %add3A, %jit3A : i32
    %sign3A = arith.constant 0 : i32
    %sign3A_3 = arith.cmpi sgt, %add3A, %sign3A : i32
    %sign3A_4 = arith.extui %sign3A_3 : i1 to i32
    %sign3A_5 = arith.constant 0 : i32
    %sign3A_6 = arith.cmpi slt, %add3A, %sign3A_5 : i32
    %sign3A_7 = arith.extui %sign3A_6 : i1 to i32
    %sign3A_8 = arith.subi %sign3A_4, %sign3A_7 : i32
    %sign3A_9 = arith.constant 0 : i32
    %sign3A_10 = arith.cmpi sgt, %jit3A, %sign3A_9 : i32
    %sign3A_11 = arith.extui %sign3A_10 : i1 to i32
    %sign3A_12 = arith.constant 0 : i32
    %sign3A_13 = arith.cmpi slt, %jit3A, %sign3A_12 : i32
    %sign3A_14 = arith.extui %sign3A_13 : i1 to i32
    %sign3A_15 = arith.subi %sign3A_11, %sign3A_14 : i32
    %ne3A = arith.cmpi ne, %sign3A_8, %sign3A_15 : i32
    %rem3A = arith.remsi %add3A, %jit3A : i32
    %ne3A_16 = arith.constant 0 : i32
    %ne3A_17 = arith.cmpi ne, %rem3A, %ne3A_16 : i32
    %and3A = arith.andi %ne3A, %ne3A_17 : i1
    %sub3A = arith.constant 1 : i32
    %sub3A_18 = arith.subi %div3A, %sub3A : i32
    %select_n3A = arith.select %and3A, %sub3A_18, %div3A : i32
    %jit3A_19 = arith.constant 8 : i32
    %eq3A = arith.constant 0 : i32
    %eq3A_20 = arith.cmpi eq, %jit3A_19, %eq3A : i32
    %jit3A_21 = arith.constant 1 : i32
    %select_n3A_22 = arith.select %eq3A_20, %jit3A_21, %jit3A_19 : i32
    %rem3A_23 = arith.remsi %add3A, %select_n3A_22 : i32
    %ne3A_24 = arith.constant 0 : i32
    %ne3A_25 = arith.cmpi ne, %rem3A_23, %ne3A_24 : i32
    %lt3A = arith.constant 0 : i32
    %lt3A_26 = arith.cmpi slt, %rem3A_23, %lt3A : i32
    %lt3A_27 = arith.constant 0 : i32
    %lt3A_28 = arith.cmpi slt, %select_n3A_22, %lt3A_27 : i32
    %ne3A_29 = arith.xori %lt3A_26, %lt3A_28 : i1
    %and3A_30 = arith.andi %ne3A_29, %ne3A_25 : i1
    %add3A_31 = arith.addi %rem3A_23, %select_n3A_22 : i32
    %select_n3A_32 = arith.select %and3A_30, %add3A_31, %rem3A_23 : i32
    %mul3A_33 = arith.constant 256 : i32
    %mul3A_34 = arith.muli %select_n3A_32, %mul3A_33 : i32
    "tpu.region"() ({
      %run_scoped3A = tpu.sem_alloc : memref<!tpu.dma_semaphore, #tpu.memory_space<semaphore_mem>>
      %dma_start3A_801 = tpu.memref_slice %arg3[%select_n3A, %mul3A_34] : memref<4x2048xi32, #tpu.memory_space<hbm>> -> memref<1x256xi32, #tpu.memory_space<hbm>>
      %dma_start3A_802 = tpu.memref_squeeze %dma_start3A_801 : memref<1x256xi32, #tpu.memory_space<hbm>> -> memref<256xi32, #tpu.memory_space<hbm>>
      %dma_start3A_803 = tpu.memref_slice %arg3[%select_n3A, %mul3A_34] : memref<4x2048xi32, #tpu.memory_space<hbm>> -> memref<1x256xi32, #tpu.memory_space<hbm>>
      %dma_start3A_804 = tpu.memref_squeeze %dma_start3A_803 : memref<1x256xi32, #tpu.memory_space<hbm>> -> memref<256xi32, #tpu.memory_space<hbm>>
      tpu.enqueue_dma source(%dma_start3A_804 : memref<256xi32, #tpu.memory_space<hbm>>) target(%arg5 : memref<256xi32, #tpu.memory_space<vmem>>) target_semaphore(%run_scoped3A : memref<!tpu.dma_semaphore, #tpu.memory_space<semaphore_mem>>)
      %dma_wait3A_805 = tpu.memref_slice %arg3[%select_n3A, %mul3A_34] : memref<4x2048xi32, #tpu.memory_space<hbm>> -> memref<1x256xi32, #tpu.memory_space<hbm>>
      %dma_wait3A_806 = tpu.memref_squeeze %dma_wait3A_805 : memref<1x256xi32, #tpu.memory_space<hbm>> -> memref<256xi32, #tpu.memory_space<hbm>>
      %dma_wait3A_807 = tpu.memref_slice %arg3[%select_n3A, %mul3A_34] : memref<4x2048xi32, #tpu.memory_space<hbm>> -> memref<1x256xi32, #tpu.memory_space<hbm>>
      %dma_wait3A_808 = tpu.memref_squeeze %dma_wait3A_807 : memref<1x256xi32, #tpu.memory_space<hbm>> -> memref<256xi32, #tpu.memory_space<hbm>>
      tpu.wait_dma2 semaphore(%run_scoped3A : memref<!tpu.dma_semaphore, #tpu.memory_space<semaphore_mem>>) src(%dma_wait3A_808 : memref<256xi32, #tpu.memory_space<hbm>>) dst(%arg5 : memref<256xi32, #tpu.memory_space<vmem>>)
      tpu.yield
    }) : () -> ()
    %dma_start3A = arith.constant 0 : i32
    %dma_start3A_35 = arith.constant 0 : i32
    %dma_start3A_36 = arith.constant 0 : i32
    %dma_start3A_37 = tpu.memref_slice %arg6[%dma_start3A, %dma_start3A_35, %dma_start3A_36] : memref<7x16x1024xf32, #tpu.memory_space<vmem>> -> memref<1x16x1024xf32, #tpu.memory_space<vmem>>
    %dma_start3A_38 = tpu.memref_squeeze %dma_start3A_37 : memref<1x16x1024xf32, #tpu.memory_space<vmem>> -> memref<16x1024xf32, #tpu.memory_space<vmem>>
    %dma_start3A_39 = arith.constant 0 : i32
    %dma_start3A_40 = tpu.memref_slice %arg5[%dma_start3A_39] : memref<256xi32, #tpu.memory_space<vmem>> -> memref<16xi32, #tpu.memory_space<vmem>>
    %dma_start3A_41 = arith.constant 0 : i32
    %dma_start3A_42 = arith.constant 0 : i32
    %dma_start3A_43 = tpu.memref_slice %arg2[%dma_start3A_41, %dma_start3A_42] : memref<100000x1024xf32, #tpu.memory_space<hbm>> -> memref<100000x1024xf32, #tpu.memory_space<hbm>>
    tpu.enqueue_indirect_dma source(%dma_start3A_43 : memref<100000x1024xf32, #tpu.memory_space<hbm>>) target(%dma_start3A_38 : memref<16x1024xf32, #tpu.memory_space<vmem>>) offsets(%dma_start3A_40 : memref<16xi32, #tpu.memory_space<vmem>>) semaphore(%arg7 : memref<!tpu.dma_semaphore, #tpu.memory_space<semaphore_mem>>)
    %dma_start3A_44 = arith.constant 1 : i32
    %dma_start3A_45 = arith.constant 0 : i32
    %dma_start3A_46 = arith.constant 0 : i32
    %dma_start3A_47 = tpu.memref_slice %arg6[%dma_start3A_44, %dma_start3A_45, %dma_start3A_46] : memref<7x16x1024xf32, #tpu.memory_space<vmem>> -> memref<1x16x1024xf32, #tpu.memory_space<vmem>>
    %dma_start3A_48 = tpu.memref_squeeze %dma_start3A_47 : memref<1x16x1024xf32, #tpu.memory_space<vmem>> -> memref<16x1024xf32, #tpu.memory_space<vmem>>
    %dma_start3A_49 = arith.constant 16 : i32
    %dma_start3A_50 = tpu.memref_slice %arg5[%dma_start3A_49] : memref<256xi32, #tpu.memory_space<vmem>> -> memref<16xi32, #tpu.memory_space<vmem>>
    %dma_start3A_51 = arith.constant 0 : i32
    %dma_start3A_52 = arith.constant 0 : i32
    %dma_start3A_53 = tpu.memref_slice %arg2[%dma_start3A_51, %dma_start3A_52] : memref<100000x1024xf32, #tpu.memory_space<hbm>> -> memref<100000x1024xf32, #tpu.memory_space<hbm>>
    tpu.enqueue_indirect_dma source(%dma_start3A_53 : memref<100000x1024xf32, #tpu.memory_space<hbm>>) target(%dma_start3A_48 : memref<16x1024xf32, #tpu.memory_space<vmem>>) offsets(%dma_start3A_50 : memref<16xi32, #tpu.memory_space<vmem>>) semaphore(%arg8 : memref<!tpu.dma_semaphore, #tpu.memory_space<semaphore_mem>>)
    %dma_start3A_54 = arith.constant 2 : i32
    %dma_start3A_55 = arith.constant 0 : i32
    %dma_start3A_56 = arith.constant 0 : i32
    %dma_start3A_57 = tpu.memref_slice %arg6[%dma_start3A_54, %dma_start3A_55, %dma_start3A_56] : memref<7x16x1024xf32, #tpu.memory_space<vmem>> -> memref<1x16x1024xf32, #tpu.memory_space<vmem>>
    %dma_start3A_58 = tpu.memref_squeeze %dma_start3A_57 : memref<1x16x1024xf32, #tpu.memory_space<vmem>> -> memref<16x1024xf32, #tpu.memory_space<vmem>>
    %dma_start3A_59 = arith.constant 32 : i32
    %dma_start3A_60 = tpu.memref_slice %arg5[%dma_start3A_59] : memref<256xi32, #tpu.memory_space<vmem>> -> memref<16xi32, #tpu.memory_space<vmem>>
    %dma_start3A_61 = arith.constant 0 : i32
    %dma_start3A_62 = arith.constant 0 : i32
    %dma_start3A_63 = tpu.memref_slice %arg2[%dma_start3A_61, %dma_start3A_62] : memref<100000x1024xf32, #tpu.memory_space<hbm>> -> memref<100000x1024xf32, #tpu.memory_space<hbm>>
    tpu.enqueue_indirect_dma source(%dma_start3A_63 : memref<100000x1024xf32, #tpu.memory_space<hbm>>) target(%dma_start3A_58 : memref<16x1024xf32, #tpu.memory_space<vmem>>) offsets(%dma_start3A_60 : memref<16xi32, #tpu.memory_space<vmem>>) semaphore(%arg9 : memref<!tpu.dma_semaphore, #tpu.memory_space<semaphore_mem>>)
    %dma_start3A_64 = arith.constant 3 : i32
    %dma_start3A_65 = arith.constant 0 : i32
    %dma_start3A_66 = arith.constant 0 : i32
    %dma_start3A_67 = tpu.memref_slice %arg6[%dma_start3A_64, %dma_start3A_65, %dma_start3A_66] : memref<7x16x1024xf32, #tpu.memory_space<vmem>> -> memref<1x16x1024xf32, #tpu.memory_space<vmem>>
    %dma_start3A_68 = tpu.memref_squeeze %dma_start3A_67 : memref<1x16x1024xf32, #tpu.memory_space<vmem>> -> memref<16x1024xf32, #tpu.memory_space<vmem>>
    %dma_start3A_69 = arith.constant 48 : i32
    %dma_start3A_70 = tpu.memref_slice %arg5[%dma_start3A_69] : memref<256xi32, #tpu.memory_space<vmem>> -> memref<16xi32, #tpu.memory_space<vmem>>
    %dma_start3A_71 = arith.constant 0 : i32
    %dma_start3A_72 = arith.constant 0 : i32
    %dma_start3A_73 = tpu.memref_slice %arg2[%dma_start3A_71, %dma_start3A_72] : memref<100000x1024xf32, #tpu.memory_space<hbm>> -> memref<100000x1024xf32, #tpu.memory_space<hbm>>
    tpu.enqueue_indirect_dma source(%dma_start3A_73 : memref<100000x1024xf32, #tpu.memory_space<hbm>>) target(%dma_start3A_68 : memref<16x1024xf32, #tpu.memory_space<vmem>>) offsets(%dma_start3A_70 : memref<16xi32, #tpu.memory_space<vmem>>) semaphore(%arg10 : memref<!tpu.dma_semaphore, #tpu.memory_space<semaphore_mem>>)
    %dma_start3A_74 = arith.constant 4 : i32
    %dma_start3A_75 = arith.constant 0 : i32
    %dma_start3A_76 = arith.constant 0 : i32
    %dma_start3A_77 = tpu.memref_slice %arg6[%dma_start3A_74, %dma_start3A_75, %dma_start3A_76] : memref<7x16x1024xf32, #tpu.memory_space<vmem>> -> memref<1x16x1024xf32, #tpu.memory_space<vmem>>
    %dma_start3A_78 = tpu.memref_squeeze %dma_start3A_77 : memref<1x16x1024xf32, #tpu.memory_space<vmem>> -> memref<16x1024xf32, #tpu.memory_space<vmem>>
    %dma_start3A_79 = arith.constant 64 : i32
    %dma_start3A_80 = tpu.memref_slice %arg5[%dma_start3A_79] : memref<256xi32, #tpu.memory_space<vmem>> -> memref<16xi32, #tpu.memory_space<vmem>>
    %dma_start3A_81 = arith.constant 0 : i32
    %dma_start3A_82 = arith.constant 0 : i32
    %dma_start3A_83 = tpu.memref_slice %arg2[%dma_start3A_81, %dma_start3A_82] : memref<100000x1024xf32, #tpu.memory_space<hbm>> -> memref<100000x1024xf32, #tpu.memory_space<hbm>>
    tpu.enqueue_indirect_dma source(%dma_start3A_83 : memref<100000x1024xf32, #tpu.memory_space<hbm>>) target(%dma_start3A_78 : memref<16x1024xf32, #tpu.memory_space<vmem>>) offsets(%dma_start3A_80 : memref<16xi32, #tpu.memory_space<vmem>>) semaphore(%arg11 : memref<!tpu.dma_semaphore, #tpu.memory_space<semaphore_mem>>)
    %dma_start3A_84 = arith.constant 5 : i32
    %dma_start3A_85 = arith.constant 0 : i32
    %dma_start3A_86 = arith.constant 0 : i32
    %dma_start3A_87 = tpu.memref_slice %arg6[%dma_start3A_84, %dma_start3A_85, %dma_start3A_86] : memref<7x16x1024xf32, #tpu.memory_space<vmem>> -> memref<1x16x1024xf32, #tpu.memory_space<vmem>>
    %dma_start3A_88 = tpu.memref_squeeze %dma_start3A_87 : memref<1x16x1024xf32, #tpu.memory_space<vmem>> -> memref<16x1024xf32, #tpu.memory_space<vmem>>
    %dma_start3A_89 = arith.constant 80 : i32
    %dma_start3A_90 = tpu.memref_slice %arg5[%dma_start3A_89] : memref<256xi32, #tpu.memory_space<vmem>> -> memref<16xi32, #tpu.memory_space<vmem>>
    %dma_start3A_91 = arith.constant 0 : i32
    %dma_start3A_92 = arith.constant 0 : i32
    %dma_start3A_93 = tpu.memref_slice %arg2[%dma_start3A_91, %dma_start3A_92] : memref<100000x1024xf32, #tpu.memory_space<hbm>> -> memref<100000x1024xf32, #tpu.memory_space<hbm>>
    tpu.enqueue_indirect_dma source(%dma_start3A_93 : memref<100000x1024xf32, #tpu.memory_space<hbm>>) target(%dma_start3A_88 : memref<16x1024xf32, #tpu.memory_space<vmem>>) offsets(%dma_start3A_90 : memref<16xi32, #tpu.memory_space<vmem>>) semaphore(%arg12 : memref<!tpu.dma_semaphore, #tpu.memory_space<semaphore_mem>>)
    %dma_start3A_94 = arith.constant 6 : i32
    %dma_start3A_95 = arith.constant 0 : i32
    %dma_start3A_96 = arith.constant 0 : i32
    %dma_start3A_97 = tpu.memref_slice %arg6[%dma_start3A_94, %dma_start3A_95, %dma_start3A_96] : memref<7x16x1024xf32, #tpu.memory_space<vmem>> -> memref<1x16x1024xf32, #tpu.memory_space<vmem>>
    %dma_start3A_98 = tpu.memref_squeeze %dma_start3A_97 : memref<1x16x1024xf32, #tpu.memory_space<vmem>> -> memref<16x1024xf32, #tpu.memory_space<vmem>>
    %dma_start3A_99 = arith.constant 96 : i32
    %dma_start3A_100 = tpu.memref_slice %arg5[%dma_start3A_99] : memref<256xi32, #tpu.memory_space<vmem>> -> memref<16xi32, #tpu.memory_space<vmem>>
    %dma_start3A_101 = arith.constant 0 : i32
    %dma_start3A_102 = arith.constant 0 : i32
    %dma_start3A_103 = tpu.memref_slice %arg2[%dma_start3A_101, %dma_start3A_102] : memref<100000x1024xf32, #tpu.memory_space<hbm>> -> memref<100000x1024xf32, #tpu.memory_space<hbm>>
    tpu.enqueue_indirect_dma source(%dma_start3A_103 : memref<100000x1024xf32, #tpu.memory_space<hbm>>) target(%dma_start3A_98 : memref<16x1024xf32, #tpu.memory_space<vmem>>) offsets(%dma_start3A_100 : memref<16xi32, #tpu.memory_space<vmem>>) semaphore(%arg13 : memref<!tpu.dma_semaphore, #tpu.memory_space<semaphore_mem>>)
    %dma_wait3A = arith.constant 0 : i32
    %dma_wait3A_104 = arith.constant 0 : i32
    %dma_wait3A_105 = arith.constant 0 : i32
    %dma_wait3A_106 = tpu.memref_slice %arg6[%dma_wait3A, %dma_wait3A_104, %dma_wait3A_105] : memref<7x16x1024xf32, #tpu.memory_space<vmem>> -> memref<1x16x1024xf32, #tpu.memory_space<vmem>>
    %dma_wait3A_107 = tpu.memref_squeeze %dma_wait3A_106 : memref<1x16x1024xf32, #tpu.memory_space<vmem>> -> memref<16x1024xf32, #tpu.memory_space<vmem>>
    %dma_wait3A_108 = arith.constant 0 : i32
    %dma_wait3A_109 = tpu.memref_slice %arg5[%dma_wait3A_108] : memref<256xi32, #tpu.memory_space<vmem>> -> memref<16xi32, #tpu.memory_space<vmem>>
    %dma_wait3A_110 = arith.constant 0 : i32
    %dma_wait3A_111 = arith.constant 0 : i32
    %dma_wait3A_112 = tpu.memref_slice %arg2[%dma_wait3A_110, %dma_wait3A_111] : memref<100000x1024xf32, #tpu.memory_space<hbm>> -> memref<100000x1024xf32, #tpu.memory_space<hbm>>
    tpu.wait_indirect_dma semaphore(%arg7 : memref<!tpu.dma_semaphore, #tpu.memory_space<semaphore_mem>>) src(%dma_wait3A_112 : memref<100000x1024xf32, #tpu.memory_space<hbm>>) dst(%dma_wait3A_107 : memref<16x1024xf32, #tpu.memory_space<vmem>>)
    %add3A_113 = arith.constant 0 : i32
    %add3A_114 = arith.addi %mul3A_2, %add3A_113 : i32
    %dma_start3A_115 = arith.constant 0 : i32
    %dma_start3A_116 = arith.constant 0 : i32
    %dma_start3A_117 = arith.constant 0 : i32
    %dma_start3A_118 = tpu.memref_slice %arg6[%dma_start3A_115, %dma_start3A_116, %dma_start3A_117] : memref<7x16x1024xf32, #tpu.memory_space<vmem>> -> memref<1x16x1024xf32, #tpu.memory_space<vmem>>
    %dma_start3A_119 = tpu.memref_squeeze %dma_start3A_118 : memref<1x16x1024xf32, #tpu.memory_space<vmem>> -> memref<16x1024xf32, #tpu.memory_space<vmem>>
    %dma_start3A_120 = arith.constant 0 : i32
    %dma_start3A_121 = tpu.memref_slice %arg4[%add3A_114, %dma_start3A_120] : memref<8192x1024xf32, #tpu.memory_space<hbm>> -> memref<16x1024xf32, #tpu.memory_space<hbm>>
    %dma_start3A_122 = arith.constant 0 : i32
    %dma_start3A_123 = tpu.memref_slice %arg4[%add3A_114, %dma_start3A_122] : memref<8192x1024xf32, #tpu.memory_space<hbm>> -> memref<16x1024xf32, #tpu.memory_space<hbm>>
    %dma_start3A_124 = arith.constant 0 : i32
    %dma_start3A_125 = arith.constant 0 : i32
    %dma_start3A_126 = tpu.memref_slice %arg6[%dma_start3A_115, %dma_start3A_124, %dma_start3A_125] : memref<7x16x1024xf32, #tpu.memory_space<vmem>> -> memref<1x16x1024xf32, #tpu.memory_space<vmem>>
    %dma_start3A_127 = tpu.memref_squeeze %dma_start3A_126 : memref<1x16x1024xf32, #tpu.memory_space<vmem>> -> memref<16x1024xf32, #tpu.memory_space<vmem>>
    tpu.enqueue_dma source(%dma_start3A_127 : memref<16x1024xf32, #tpu.memory_space<vmem>>) target(%dma_start3A_123 : memref<16x1024xf32, #tpu.memory_space<hbm>>) target_semaphore(%arg14 : memref<!tpu.dma_semaphore, #tpu.memory_space<semaphore_mem>>)
    %dma_wait3A_128 = arith.constant 0 : i32
    %dma_wait3A_129 = arith.constant 0 : i32
    %dma_wait3A_130 = arith.constant 0 : i32
    %dma_wait3A_131 = tpu.memref_slice %arg6[%dma_wait3A_128, %dma_wait3A_129, %dma_wait3A_130] : memref<7x16x1024xf32, #tpu.memory_space<vmem>> -> memref<1x16x1024xf32, #tpu.memory_space<vmem>>
    %dma_wait3A_132 = tpu.memref_squeeze %dma_wait3A_131 : memref<1x16x1024xf32, #tpu.memory_space<vmem>> -> memref<16x1024xf32, #tpu.memory_space<vmem>>
    %dma_wait3A_133 = arith.constant 0 : i32
    %dma_wait3A_134 = tpu.memref_slice %arg4[%add3A_114, %dma_wait3A_133] : memref<8192x1024xf32, #tpu.memory_space<hbm>> -> memref<16x1024xf32, #tpu.memory_space<hbm>>
    %dma_wait3A_135 = arith.constant 0 : i32
    %dma_wait3A_136 = tpu.memref_slice %arg4[%add3A_114, %dma_wait3A_135] : memref<8192x1024xf32, #tpu.memory_space<hbm>> -> memref<16x1024xf32, #tpu.memory_space<hbm>>
    %dma_wait3A_137 = arith.constant 0 : i32
    %dma_wait3A_138 = arith.constant 0 : i32
    %dma_wait3A_139 = tpu.memref_slice %arg6[%dma_wait3A_128, %dma_wait3A_137, %dma_wait3A_138] : memref<7x16x1024xf32, #tpu.memory_space<vmem>> -> memref<1x16x1024xf32, #tpu.memory_space<vmem>>
    %dma_wait3A_140 = tpu.memref_squeeze %dma_wait3A_139 : memref<1x16x1024xf32, #tpu.memory_space<vmem>> -> memref<16x1024xf32, #tpu.memory_space<vmem>>
    tpu.wait_dma2 semaphore(%arg14 : memref<!tpu.dma_semaphore, #tpu.memory_space<semaphore_mem>>) src(%dma_wait3A_140 : memref<16x1024xf32, #tpu.memory_space<vmem>>) dst(%dma_wait3A_136 : memref<16x1024xf32, #tpu.memory_space<hbm>>)
    %dma_start3A_141 = arith.constant 0 : i32
    %dma_start3A_142 = arith.constant 0 : i32
    %dma_start3A_143 = arith.constant 0 : i32
    %dma_start3A_144 = tpu.memref_slice %arg6[%dma_start3A_141, %dma_start3A_142, %dma_start3A_143] : memref<7x16x1024xf32, #tpu.memory_space<vmem>> -> memref<1x16x1024xf32, #tpu.memory_space<vmem>>
    %dma_start3A_145 = tpu.memref_squeeze %dma_start3A_144 : memref<1x16x1024xf32, #tpu.memory_space<vmem>> -> memref<16x1024xf32, #tpu.memory_space<vmem>>
    %dma_start3A_146 = arith.constant 112 : i32
    %dma_start3A_147 = tpu.memref_slice %arg5[%dma_start3A_146] : memref<256xi32, #tpu.memory_space<vmem>> -> memref<16xi32, #tpu.memory_space<vmem>>
    %dma_start3A_148 = arith.constant 0 : i32
    %dma_start3A_149 = arith.constant 0 : i32
    %dma_start3A_150 = tpu.memref_slice %arg2[%dma_start3A_148, %dma_start3A_149] : memref<100000x1024xf32, #tpu.memory_space<hbm>> -> memref<100000x1024xf32, #tpu.memory_space<hbm>>
    tpu.enqueue_indirect_dma source(%dma_start3A_150 : memref<100000x1024xf32, #tpu.memory_space<hbm>>) target(%dma_start3A_145 : memref<16x1024xf32, #tpu.memory_space<vmem>>) offsets(%dma_start3A_147 : memref<16xi32, #tpu.memory_space<vmem>>) semaphore(%arg7 : memref<!tpu.dma_semaphore, #tpu.memory_space<semaphore_mem>>)
    %dma_wait3A_151 = arith.constant 1 : i32
    %dma_wait3A_152 = arith.constant 0 : i32
    %dma_wait3A_153 = arith.constant 0 : i32
    %dma_wait3A_154 = tpu.memref_slice %arg6[%dma_wait3A_151, %dma_wait3A_152, %dma_wait3A_153] : memref<7x16x1024xf32, #tpu.memory_space<vmem>> -> memref<1x16x1024xf32, #tpu.memory_space<vmem>>
    %dma_wait3A_155 = tpu.memref_squeeze %dma_wait3A_154 : memref<1x16x1024xf32, #tpu.memory_space<vmem>> -> memref<16x1024xf32, #tpu.memory_space<vmem>>
    %dma_wait3A_156 = arith.constant 16 : i32
    %dma_wait3A_157 = tpu.memref_slice %arg5[%dma_wait3A_156] : memref<256xi32, #tpu.memory_space<vmem>> -> memref<16xi32, #tpu.memory_space<vmem>>
    %dma_wait3A_158 = arith.constant 0 : i32
    %dma_wait3A_159 = arith.constant 0 : i32
    %dma_wait3A_160 = tpu.memref_slice %arg2[%dma_wait3A_158, %dma_wait3A_159] : memref<100000x1024xf32, #tpu.memory_space<hbm>> -> memref<100000x1024xf32, #tpu.memory_space<hbm>>
    tpu.wait_indirect_dma semaphore(%arg8 : memref<!tpu.dma_semaphore, #tpu.memory_space<semaphore_mem>>) src(%dma_wait3A_160 : memref<100000x1024xf32, #tpu.memory_space<hbm>>) dst(%dma_wait3A_155 : memref<16x1024xf32, #tpu.memory_space<vmem>>)
    %add3A_161 = arith.constant 16 : i32
    %add3A_162 = arith.addi %mul3A_2, %add3A_161 : i32
    %dma_start3A_163 = arith.constant 1 : i32
    %dma_start3A_164 = arith.constant 0 : i32
    %dma_start3A_165 = arith.constant 0 : i32
    %dma_start3A_166 = tpu.memref_slice %arg6[%dma_start3A_163, %dma_start3A_164, %dma_start3A_165] : memref<7x16x1024xf32, #tpu.memory_space<vmem>> -> memref<1x16x1024xf32, #tpu.memory_space<vmem>>
    %dma_start3A_167 = tpu.memref_squeeze %dma_start3A_166 : memref<1x16x1024xf32, #tpu.memory_space<vmem>> -> memref<16x1024xf32, #tpu.memory_space<vmem>>
    %dma_start3A_168 = arith.constant 0 : i32
    %dma_start3A_169 = tpu.memref_slice %arg4[%add3A_162, %dma_start3A_168] : memref<8192x1024xf32, #tpu.memory_space<hbm>> -> memref<16x1024xf32, #tpu.memory_space<hbm>>
    %dma_start3A_170 = arith.constant 0 : i32
    %dma_start3A_171 = tpu.memref_slice %arg4[%add3A_162, %dma_start3A_170] : memref<8192x1024xf32, #tpu.memory_space<hbm>> -> memref<16x1024xf32, #tpu.memory_space<hbm>>
    %dma_start3A_172 = arith.constant 0 : i32
    %dma_start3A_173 = arith.constant 0 : i32
    %dma_start3A_174 = tpu.memref_slice %arg6[%dma_start3A_163, %dma_start3A_172, %dma_start3A_173] : memref<7x16x1024xf32, #tpu.memory_space<vmem>> -> memref<1x16x1024xf32, #tpu.memory_space<vmem>>
    %dma_start3A_175 = tpu.memref_squeeze %dma_start3A_174 : memref<1x16x1024xf32, #tpu.memory_space<vmem>> -> memref<16x1024xf32, #tpu.memory_space<vmem>>
    tpu.enqueue_dma source(%dma_start3A_175 : memref<16x1024xf32, #tpu.memory_space<vmem>>) target(%dma_start3A_171 : memref<16x1024xf32, #tpu.memory_space<hbm>>) target_semaphore(%arg15 : memref<!tpu.dma_semaphore, #tpu.memory_space<semaphore_mem>>)
    %dma_wait3A_176 = arith.constant 1 : i32
    %dma_wait3A_177 = arith.constant 0 : i32
    %dma_wait3A_178 = arith.constant 0 : i32
    %dma_wait3A_179 = tpu.memref_slice %arg6[%dma_wait3A_176, %dma_wait3A_177, %dma_wait3A_178] : memref<7x16x1024xf32, #tpu.memory_space<vmem>> -> memref<1x16x1024xf32, #tpu.memory_space<vmem>>
    %dma_wait3A_180 = tpu.memref_squeeze %dma_wait3A_179 : memref<1x16x1024xf32, #tpu.memory_space<vmem>> -> memref<16x1024xf32, #tpu.memory_space<vmem>>
    %dma_wait3A_181 = arith.constant 0 : i32
    %dma_wait3A_182 = tpu.memref_slice %arg4[%add3A_162, %dma_wait3A_181] : memref<8192x1024xf32, #tpu.memory_space<hbm>> -> memref<16x1024xf32, #tpu.memory_space<hbm>>
    %dma_wait3A_183 = arith.constant 0 : i32
    %dma_wait3A_184 = tpu.memref_slice %arg4[%add3A_162, %dma_wait3A_183] : memref<8192x1024xf32, #tpu.memory_space<hbm>> -> memref<16x1024xf32, #tpu.memory_space<hbm>>
    %dma_wait3A_185 = arith.constant 0 : i32
    %dma_wait3A_186 = arith.constant 0 : i32
    %dma_wait3A_187 = tpu.memref_slice %arg6[%dma_wait3A_176, %dma_wait3A_185, %dma_wait3A_186] : memref<7x16x1024xf32, #tpu.memory_space<vmem>> -> memref<1x16x1024xf32, #tpu.memory_space<vmem>>
    %dma_wait3A_188 = tpu.memref_squeeze %dma_wait3A_187 : memref<1x16x1024xf32, #tpu.memory_space<vmem>> -> memref<16x1024xf32, #tpu.memory_space<vmem>>
    tpu.wait_dma2 semaphore(%arg15 : memref<!tpu.dma_semaphore, #tpu.memory_space<semaphore_mem>>) src(%dma_wait3A_188 : memref<16x1024xf32, #tpu.memory_space<vmem>>) dst(%dma_wait3A_184 : memref<16x1024xf32, #tpu.memory_space<hbm>>)
    %dma_start3A_189 = arith.constant 1 : i32
    %dma_start3A_190 = arith.constant 0 : i32
    %dma_start3A_191 = arith.constant 0 : i32
    %dma_start3A_192 = tpu.memref_slice %arg6[%dma_start3A_189, %dma_start3A_190, %dma_start3A_191] : memref<7x16x1024xf32, #tpu.memory_space<vmem>> -> memref<1x16x1024xf32, #tpu.memory_space<vmem>>
    %dma_start3A_193 = tpu.memref_squeeze %dma_start3A_192 : memref<1x16x1024xf32, #tpu.memory_space<vmem>> -> memref<16x1024xf32, #tpu.memory_space<vmem>>
    %dma_start3A_194 = arith.constant 128 : i32
    %dma_start3A_195 = tpu.memref_slice %arg5[%dma_start3A_194] : memref<256xi32, #tpu.memory_space<vmem>> -> memref<16xi32, #tpu.memory_space<vmem>>
    %dma_start3A_196 = arith.constant 0 : i32
    %dma_start3A_197 = arith.constant 0 : i32
    %dma_start3A_198 = tpu.memref_slice %arg2[%dma_start3A_196, %dma_start3A_197] : memref<100000x1024xf32, #tpu.memory_space<hbm>> -> memref<100000x1024xf32, #tpu.memory_space<hbm>>
    tpu.enqueue_indirect_dma source(%dma_start3A_198 : memref<100000x1024xf32, #tpu.memory_space<hbm>>) target(%dma_start3A_193 : memref<16x1024xf32, #tpu.memory_space<vmem>>) offsets(%dma_start3A_195 : memref<16xi32, #tpu.memory_space<vmem>>) semaphore(%arg8 : memref<!tpu.dma_semaphore, #tpu.memory_space<semaphore_mem>>)
    %dma_wait3A_199 = arith.constant 2 : i32
    %dma_wait3A_200 = arith.constant 0 : i32
    %dma_wait3A_201 = arith.constant 0 : i32
    %dma_wait3A_202 = tpu.memref_slice %arg6[%dma_wait3A_199, %dma_wait3A_200, %dma_wait3A_201] : memref<7x16x1024xf32, #tpu.memory_space<vmem>> -> memref<1x16x1024xf32, #tpu.memory_space<vmem>>
    %dma_wait3A_203 = tpu.memref_squeeze %dma_wait3A_202 : memref<1x16x1024xf32, #tpu.memory_space<vmem>> -> memref<16x1024xf32, #tpu.memory_space<vmem>>
    %dma_wait3A_204 = arith.constant 32 : i32
    %dma_wait3A_205 = tpu.memref_slice %arg5[%dma_wait3A_204] : memref<256xi32, #tpu.memory_space<vmem>> -> memref<16xi32, #tpu.memory_space<vmem>>
    %dma_wait3A_206 = arith.constant 0 : i32
    %dma_wait3A_207 = arith.constant 0 : i32
    %dma_wait3A_208 = tpu.memref_slice %arg2[%dma_wait3A_206, %dma_wait3A_207] : memref<100000x1024xf32, #tpu.memory_space<hbm>> -> memref<100000x1024xf32, #tpu.memory_space<hbm>>
    tpu.wait_indirect_dma semaphore(%arg9 : memref<!tpu.dma_semaphore, #tpu.memory_space<semaphore_mem>>) src(%dma_wait3A_208 : memref<100000x1024xf32, #tpu.memory_space<hbm>>) dst(%dma_wait3A_203 : memref<16x1024xf32, #tpu.memory_space<vmem>>)
    %add3A_209 = arith.constant 32 : i32
    %add3A_210 = arith.addi %mul3A_2, %add3A_209 : i32
    %dma_start3A_211 = arith.constant 2 : i32
    %dma_start3A_212 = arith.constant 0 : i32
    %dma_start3A_213 = arith.constant 0 : i32
    %dma_start3A_214 = tpu.memref_slice %arg6[%dma_start3A_211, %dma_start3A_212, %dma_start3A_213] : memref<7x16x1024xf32, #tpu.memory_space<vmem>> -> memref<1x16x1024xf32, #tpu.memory_space<vmem>>
    %dma_start3A_215 = tpu.memref_squeeze %dma_start3A_214 : memref<1x16x1024xf32, #tpu.memory_space<vmem>> -> memref<16x1024xf32, #tpu.memory_space<vmem>>
    %dma_start3A_216 = arith.constant 0 : i32
    %dma_start3A_217 = tpu.memref_slice %arg4[%add3A_210, %dma_start3A_216] : memref<8192x1024xf32, #tpu.memory_space<hbm>> -> memref<16x1024xf32, #tpu.memory_space<hbm>>
    %dma_start3A_218 = arith.constant 0 : i32
    %dma_start3A_219 = tpu.memref_slice %arg4[%add3A_210, %dma_start3A_218] : memref<8192x1024xf32, #tpu.memory_space<hbm>> -> memref<16x1024xf32, #tpu.memory_space<hbm>>
    %dma_start3A_220 = arith.constant 0 : i32
    %dma_start3A_221 = arith.constant 0 : i32
    %dma_start3A_222 = tpu.memref_slice %arg6[%dma_start3A_211, %dma_start3A_220, %dma_start3A_221] : memref<7x16x1024xf32, #tpu.memory_space<vmem>> -> memref<1x16x1024xf32, #tpu.memory_space<vmem>>
    %dma_start3A_223 = tpu.memref_squeeze %dma_start3A_222 : memref<1x16x1024xf32, #tpu.memory_space<vmem>> -> memref<16x1024xf32, #tpu.memory_space<vmem>>
    tpu.enqueue_dma source(%dma_start3A_223 : memref<16x1024xf32, #tpu.memory_space<vmem>>) target(%dma_start3A_219 : memref<16x1024xf32, #tpu.memory_space<hbm>>) target_semaphore(%arg16 : memref<!tpu.dma_semaphore, #tpu.memory_space<semaphore_mem>>)
    %dma_wait3A_224 = arith.constant 2 : i32
    %dma_wait3A_225 = arith.constant 0 : i32
    %dma_wait3A_226 = arith.constant 0 : i32
    %dma_wait3A_227 = tpu.memref_slice %arg6[%dma_wait3A_224, %dma_wait3A_225, %dma_wait3A_226] : memref<7x16x1024xf32, #tpu.memory_space<vmem>> -> memref<1x16x1024xf32, #tpu.memory_space<vmem>>
    %dma_wait3A_228 = tpu.memref_squeeze %dma_wait3A_227 : memref<1x16x1024xf32, #tpu.memory_space<vmem>> -> memref<16x1024xf32, #tpu.memory_space<vmem>>
    %dma_wait3A_229 = arith.constant 0 : i32
    %dma_wait3A_230 = tpu.memref_slice %arg4[%add3A_210, %dma_wait3A_229] : memref<8192x1024xf32, #tpu.memory_space<hbm>> -> memref<16x1024xf32, #tpu.memory_space<hbm>>
    %dma_wait3A_231 = arith.constant 0 : i32
    %dma_wait3A_232 = tpu.memref_slice %arg4[%add3A_210, %dma_wait3A_231] : memref<8192x1024xf32, #tpu.memory_space<hbm>> -> memref<16x1024xf32, #tpu.memory_space<hbm>>
    %dma_wait3A_233 = arith.constant 0 : i32
    %dma_wait3A_234 = arith.constant 0 : i32
    %dma_wait3A_235 = tpu.memref_slice %arg6[%dma_wait3A_224, %dma_wait3A_233, %dma_wait3A_234] : memref<7x16x1024xf32, #tpu.memory_space<vmem>> -> memref<1x16x1024xf32, #tpu.memory_space<vmem>>
    %dma_wait3A_236 = tpu.memref_squeeze %dma_wait3A_235 : memref<1x16x1024xf32, #tpu.memory_space<vmem>> -> memref<16x1024xf32, #tpu.memory_space<vmem>>
    tpu.wait_dma2 semaphore(%arg16 : memref<!tpu.dma_semaphore, #tpu.memory_space<semaphore_mem>>) src(%dma_wait3A_236 : memref<16x1024xf32, #tpu.memory_space<vmem>>) dst(%dma_wait3A_232 : memref<16x1024xf32, #tpu.memory_space<hbm>>)
    %dma_start3A_237 = arith.constant 2 : i32
    %dma_start3A_238 = arith.constant 0 : i32
    %dma_start3A_239 = arith.constant 0 : i32
    %dma_start3A_240 = tpu.memref_slice %arg6[%dma_start3A_237, %dma_start3A_238, %dma_start3A_239] : memref<7x16x1024xf32, #tpu.memory_space<vmem>> -> memref<1x16x1024xf32, #tpu.memory_space<vmem>>
    %dma_start3A_241 = tpu.memref_squeeze %dma_start3A_240 : memref<1x16x1024xf32, #tpu.memory_space<vmem>> -> memref<16x1024xf32, #tpu.memory_space<vmem>>
    %dma_start3A_242 = arith.constant 144 : i32
    %dma_start3A_243 = tpu.memref_slice %arg5[%dma_start3A_242] : memref<256xi32, #tpu.memory_space<vmem>> -> memref<16xi32, #tpu.memory_space<vmem>>
    %dma_start3A_244 = arith.constant 0 : i32
    %dma_start3A_245 = arith.constant 0 : i32
    %dma_start3A_246 = tpu.memref_slice %arg2[%dma_start3A_244, %dma_start3A_245] : memref<100000x1024xf32, #tpu.memory_space<hbm>> -> memref<100000x1024xf32, #tpu.memory_space<hbm>>
    tpu.enqueue_indirect_dma source(%dma_start3A_246 : memref<100000x1024xf32, #tpu.memory_space<hbm>>) target(%dma_start3A_241 : memref<16x1024xf32, #tpu.memory_space<vmem>>) offsets(%dma_start3A_243 : memref<16xi32, #tpu.memory_space<vmem>>) semaphore(%arg9 : memref<!tpu.dma_semaphore, #tpu.memory_space<semaphore_mem>>)
    %dma_wait3A_247 = arith.constant 3 : i32
    %dma_wait3A_248 = arith.constant 0 : i32
    %dma_wait3A_249 = arith.constant 0 : i32
    %dma_wait3A_250 = tpu.memref_slice %arg6[%dma_wait3A_247, %dma_wait3A_248, %dma_wait3A_249] : memref<7x16x1024xf32, #tpu.memory_space<vmem>> -> memref<1x16x1024xf32, #tpu.memory_space<vmem>>
    %dma_wait3A_251 = tpu.memref_squeeze %dma_wait3A_250 : memref<1x16x1024xf32, #tpu.memory_space<vmem>> -> memref<16x1024xf32, #tpu.memory_space<vmem>>
    %dma_wait3A_252 = arith.constant 48 : i32
    %dma_wait3A_253 = tpu.memref_slice %arg5[%dma_wait3A_252] : memref<256xi32, #tpu.memory_space<vmem>> -> memref<16xi32, #tpu.memory_space<vmem>>
    %dma_wait3A_254 = arith.constant 0 : i32
    %dma_wait3A_255 = arith.constant 0 : i32
    %dma_wait3A_256 = tpu.memref_slice %arg2[%dma_wait3A_254, %dma_wait3A_255] : memref<100000x1024xf32, #tpu.memory_space<hbm>> -> memref<100000x1024xf32, #tpu.memory_space<hbm>>
    tpu.wait_indirect_dma semaphore(%arg10 : memref<!tpu.dma_semaphore, #tpu.memory_space<semaphore_mem>>) src(%dma_wait3A_256 : memref<100000x1024xf32, #tpu.memory_space<hbm>>) dst(%dma_wait3A_251 : memref<16x1024xf32, #tpu.memory_space<vmem>>)
    %add3A_257 = arith.constant 48 : i32
    %add3A_258 = arith.addi %mul3A_2, %add3A_257 : i32
    %dma_start3A_259 = arith.constant 3 : i32
    %dma_start3A_260 = arith.constant 0 : i32
    %dma_start3A_261 = arith.constant 0 : i32
    %dma_start3A_262 = tpu.memref_slice %arg6[%dma_start3A_259, %dma_start3A_260, %dma_start3A_261] : memref<7x16x1024xf32, #tpu.memory_space<vmem>> -> memref<1x16x1024xf32, #tpu.memory_space<vmem>>
    %dma_start3A_263 = tpu.memref_squeeze %dma_start3A_262 : memref<1x16x1024xf32, #tpu.memory_space<vmem>> -> memref<16x1024xf32, #tpu.memory_space<vmem>>
    %dma_start3A_264 = arith.constant 0 : i32
    %dma_start3A_265 = tpu.memref_slice %arg4[%add3A_258, %dma_start3A_264] : memref<8192x1024xf32, #tpu.memory_space<hbm>> -> memref<16x1024xf32, #tpu.memory_space<hbm>>
    %dma_start3A_266 = arith.constant 0 : i32
    %dma_start3A_267 = tpu.memref_slice %arg4[%add3A_258, %dma_start3A_266] : memref<8192x1024xf32, #tpu.memory_space<hbm>> -> memref<16x1024xf32, #tpu.memory_space<hbm>>
    %dma_start3A_268 = arith.constant 0 : i32
    %dma_start3A_269 = arith.constant 0 : i32
    %dma_start3A_270 = tpu.memref_slice %arg6[%dma_start3A_259, %dma_start3A_268, %dma_start3A_269] : memref<7x16x1024xf32, #tpu.memory_space<vmem>> -> memref<1x16x1024xf32, #tpu.memory_space<vmem>>
    %dma_start3A_271 = tpu.memref_squeeze %dma_start3A_270 : memref<1x16x1024xf32, #tpu.memory_space<vmem>> -> memref<16x1024xf32, #tpu.memory_space<vmem>>
    tpu.enqueue_dma source(%dma_start3A_271 : memref<16x1024xf32, #tpu.memory_space<vmem>>) target(%dma_start3A_267 : memref<16x1024xf32, #tpu.memory_space<hbm>>) target_semaphore(%arg17 : memref<!tpu.dma_semaphore, #tpu.memory_space<semaphore_mem>>)
    %dma_wait3A_272 = arith.constant 3 : i32
    %dma_wait3A_273 = arith.constant 0 : i32
    %dma_wait3A_274 = arith.constant 0 : i32
    %dma_wait3A_275 = tpu.memref_slice %arg6[%dma_wait3A_272, %dma_wait3A_273, %dma_wait3A_274] : memref<7x16x1024xf32, #tpu.memory_space<vmem>> -> memref<1x16x1024xf32, #tpu.memory_space<vmem>>
    %dma_wait3A_276 = tpu.memref_squeeze %dma_wait3A_275 : memref<1x16x1024xf32, #tpu.memory_space<vmem>> -> memref<16x1024xf32, #tpu.memory_space<vmem>>
    %dma_wait3A_277 = arith.constant 0 : i32
    %dma_wait3A_278 = tpu.memref_slice %arg4[%add3A_258, %dma_wait3A_277] : memref<8192x1024xf32, #tpu.memory_space<hbm>> -> memref<16x1024xf32, #tpu.memory_space<hbm>>
    %dma_wait3A_279 = arith.constant 0 : i32
    %dma_wait3A_280 = tpu.memref_slice %arg4[%add3A_258, %dma_wait3A_279] : memref<8192x1024xf32, #tpu.memory_space<hbm>> -> memref<16x1024xf32, #tpu.memory_space<hbm>>
    %dma_wait3A_281 = arith.constant 0 : i32
    %dma_wait3A_282 = arith.constant 0 : i32
    %dma_wait3A_283 = tpu.memref_slice %arg6[%dma_wait3A_272, %dma_wait3A_281, %dma_wait3A_282] : memref<7x16x1024xf32, #tpu.memory_space<vmem>> -> memref<1x16x1024xf32, #tpu.memory_space<vmem>>
    %dma_wait3A_284 = tpu.memref_squeeze %dma_wait3A_283 : memref<1x16x1024xf32, #tpu.memory_space<vmem>> -> memref<16x1024xf32, #tpu.memory_space<vmem>>
    tpu.wait_dma2 semaphore(%arg17 : memref<!tpu.dma_semaphore, #tpu.memory_space<semaphore_mem>>) src(%dma_wait3A_284 : memref<16x1024xf32, #tpu.memory_space<vmem>>) dst(%dma_wait3A_280 : memref<16x1024xf32, #tpu.memory_space<hbm>>)
    %dma_start3A_285 = arith.constant 3 : i32
    %dma_start3A_286 = arith.constant 0 : i32
    %dma_start3A_287 = arith.constant 0 : i32
    %dma_start3A_288 = tpu.memref_slice %arg6[%dma_start3A_285, %dma_start3A_286, %dma_start3A_287] : memref<7x16x1024xf32, #tpu.memory_space<vmem>> -> memref<1x16x1024xf32, #tpu.memory_space<vmem>>
    %dma_start3A_289 = tpu.memref_squeeze %dma_start3A_288 : memref<1x16x1024xf32, #tpu.memory_space<vmem>> -> memref<16x1024xf32, #tpu.memory_space<vmem>>
    %dma_start3A_290 = arith.constant 160 : i32
    %dma_start3A_291 = tpu.memref_slice %arg5[%dma_start3A_290] : memref<256xi32, #tpu.memory_space<vmem>> -> memref<16xi32, #tpu.memory_space<vmem>>
    %dma_start3A_292 = arith.constant 0 : i32
    %dma_start3A_293 = arith.constant 0 : i32
    %dma_start3A_294 = tpu.memref_slice %arg2[%dma_start3A_292, %dma_start3A_293] : memref<100000x1024xf32, #tpu.memory_space<hbm>> -> memref<100000x1024xf32, #tpu.memory_space<hbm>>
    tpu.enqueue_indirect_dma source(%dma_start3A_294 : memref<100000x1024xf32, #tpu.memory_space<hbm>>) target(%dma_start3A_289 : memref<16x1024xf32, #tpu.memory_space<vmem>>) offsets(%dma_start3A_291 : memref<16xi32, #tpu.memory_space<vmem>>) semaphore(%arg10 : memref<!tpu.dma_semaphore, #tpu.memory_space<semaphore_mem>>)
    %dma_wait3A_295 = arith.constant 4 : i32
    %dma_wait3A_296 = arith.constant 0 : i32
    %dma_wait3A_297 = arith.constant 0 : i32
    %dma_wait3A_298 = tpu.memref_slice %arg6[%dma_wait3A_295, %dma_wait3A_296, %dma_wait3A_297] : memref<7x16x1024xf32, #tpu.memory_space<vmem>> -> memref<1x16x1024xf32, #tpu.memory_space<vmem>>
    %dma_wait3A_299 = tpu.memref_squeeze %dma_wait3A_298 : memref<1x16x1024xf32, #tpu.memory_space<vmem>> -> memref<16x1024xf32, #tpu.memory_space<vmem>>
    %dma_wait3A_300 = arith.constant 64 : i32
    %dma_wait3A_301 = tpu.memref_slice %arg5[%dma_wait3A_300] : memref<256xi32, #tpu.memory_space<vmem>> -> memref<16xi32, #tpu.memory_space<vmem>>
    %dma_wait3A_302 = arith.constant 0 : i32
    %dma_wait3A_303 = arith.constant 0 : i32
    %dma_wait3A_304 = tpu.memref_slice %arg2[%dma_wait3A_302, %dma_wait3A_303] : memref<100000x1024xf32, #tpu.memory_space<hbm>> -> memref<100000x1024xf32, #tpu.memory_space<hbm>>
    tpu.wait_indirect_dma semaphore(%arg11 : memref<!tpu.dma_semaphore, #tpu.memory_space<semaphore_mem>>) src(%dma_wait3A_304 : memref<100000x1024xf32, #tpu.memory_space<hbm>>) dst(%dma_wait3A_299 : memref<16x1024xf32, #tpu.memory_space<vmem>>)
    %add3A_305 = arith.constant 64 : i32
    %add3A_306 = arith.addi %mul3A_2, %add3A_305 : i32
    %dma_start3A_307 = arith.constant 4 : i32
    %dma_start3A_308 = arith.constant 0 : i32
    %dma_start3A_309 = arith.constant 0 : i32
    %dma_start3A_310 = tpu.memref_slice %arg6[%dma_start3A_307, %dma_start3A_308, %dma_start3A_309] : memref<7x16x1024xf32, #tpu.memory_space<vmem>> -> memref<1x16x1024xf32, #tpu.memory_space<vmem>>
    %dma_start3A_311 = tpu.memref_squeeze %dma_start3A_310 : memref<1x16x1024xf32, #tpu.memory_space<vmem>> -> memref<16x1024xf32, #tpu.memory_space<vmem>>
    %dma_start3A_312 = arith.constant 0 : i32
    %dma_start3A_313 = tpu.memref_slice %arg4[%add3A_306, %dma_start3A_312] : memref<8192x1024xf32, #tpu.memory_space<hbm>> -> memref<16x1024xf32, #tpu.memory_space<hbm>>
    %dma_start3A_314 = arith.constant 0 : i32
    %dma_start3A_315 = tpu.memref_slice %arg4[%add3A_306, %dma_start3A_314] : memref<8192x1024xf32, #tpu.memory_space<hbm>> -> memref<16x1024xf32, #tpu.memory_space<hbm>>
    %dma_start3A_316 = arith.constant 0 : i32
    %dma_start3A_317 = arith.constant 0 : i32
    %dma_start3A_318 = tpu.memref_slice %arg6[%dma_start3A_307, %dma_start3A_316, %dma_start3A_317] : memref<7x16x1024xf32, #tpu.memory_space<vmem>> -> memref<1x16x1024xf32, #tpu.memory_space<vmem>>
    %dma_start3A_319 = tpu.memref_squeeze %dma_start3A_318 : memref<1x16x1024xf32, #tpu.memory_space<vmem>> -> memref<16x1024xf32, #tpu.memory_space<vmem>>
    tpu.enqueue_dma source(%dma_start3A_319 : memref<16x1024xf32, #tpu.memory_space<vmem>>) target(%dma_start3A_315 : memref<16x1024xf32, #tpu.memory_space<hbm>>) target_semaphore(%arg18 : memref<!tpu.dma_semaphore, #tpu.memory_space<semaphore_mem>>)
    %dma_wait3A_320 = arith.constant 4 : i32
    %dma_wait3A_321 = arith.constant 0 : i32
    %dma_wait3A_322 = arith.constant 0 : i32
    %dma_wait3A_323 = tpu.memref_slice %arg6[%dma_wait3A_320, %dma_wait3A_321, %dma_wait3A_322] : memref<7x16x1024xf32, #tpu.memory_space<vmem>> -> memref<1x16x1024xf32, #tpu.memory_space<vmem>>
    %dma_wait3A_324 = tpu.memref_squeeze %dma_wait3A_323 : memref<1x16x1024xf32, #tpu.memory_space<vmem>> -> memref<16x1024xf32, #tpu.memory_space<vmem>>
    %dma_wait3A_325 = arith.constant 0 : i32
    %dma_wait3A_326 = tpu.memref_slice %arg4[%add3A_306, %dma_wait3A_325] : memref<8192x1024xf32, #tpu.memory_space<hbm>> -> memref<16x1024xf32, #tpu.memory_space<hbm>>
    %dma_wait3A_327 = arith.constant 0 : i32
    %dma_wait3A_328 = tpu.memref_slice %arg4[%add3A_306, %dma_wait3A_327] : memref<8192x1024xf32, #tpu.memory_space<hbm>> -> memref<16x1024xf32, #tpu.memory_space<hbm>>
    %dma_wait3A_329 = arith.constant 0 : i32
    %dma_wait3A_330 = arith.constant 0 : i32
    %dma_wait3A_331 = tpu.memref_slice %arg6[%dma_wait3A_320, %dma_wait3A_329, %dma_wait3A_330] : memref<7x16x1024xf32, #tpu.memory_space<vmem>> -> memref<1x16x1024xf32, #tpu.memory_space<vmem>>
    %dma_wait3A_332 = tpu.memref_squeeze %dma_wait3A_331 : memref<1x16x1024xf32, #tpu.memory_space<vmem>> -> memref<16x1024xf32, #tpu.memory_space<vmem>>
    tpu.wait_dma2 semaphore(%arg18 : memref<!tpu.dma_semaphore, #tpu.memory_space<semaphore_mem>>) src(%dma_wait3A_332 : memref<16x1024xf32, #tpu.memory_space<vmem>>) dst(%dma_wait3A_328 : memref<16x1024xf32, #tpu.memory_space<hbm>>)
    %dma_start3A_333 = arith.constant 4 : i32
    %dma_start3A_334 = arith.constant 0 : i32
    %dma_start3A_335 = arith.constant 0 : i32
    %dma_start3A_336 = tpu.memref_slice %arg6[%dma_start3A_333, %dma_start3A_334, %dma_start3A_335] : memref<7x16x1024xf32, #tpu.memory_space<vmem>> -> memref<1x16x1024xf32, #tpu.memory_space<vmem>>
    %dma_start3A_337 = tpu.memref_squeeze %dma_start3A_336 : memref<1x16x1024xf32, #tpu.memory_space<vmem>> -> memref<16x1024xf32, #tpu.memory_space<vmem>>
    %dma_start3A_338 = arith.constant 176 : i32
    %dma_start3A_339 = tpu.memref_slice %arg5[%dma_start3A_338] : memref<256xi32, #tpu.memory_space<vmem>> -> memref<16xi32, #tpu.memory_space<vmem>>
    %dma_start3A_340 = arith.constant 0 : i32
    %dma_start3A_341 = arith.constant 0 : i32
    %dma_start3A_342 = tpu.memref_slice %arg2[%dma_start3A_340, %dma_start3A_341] : memref<100000x1024xf32, #tpu.memory_space<hbm>> -> memref<100000x1024xf32, #tpu.memory_space<hbm>>
    tpu.enqueue_indirect_dma source(%dma_start3A_342 : memref<100000x1024xf32, #tpu.memory_space<hbm>>) target(%dma_start3A_337 : memref<16x1024xf32, #tpu.memory_space<vmem>>) offsets(%dma_start3A_339 : memref<16xi32, #tpu.memory_space<vmem>>) semaphore(%arg11 : memref<!tpu.dma_semaphore, #tpu.memory_space<semaphore_mem>>)
    %dma_wait3A_343 = arith.constant 5 : i32
    %dma_wait3A_344 = arith.constant 0 : i32
    %dma_wait3A_345 = arith.constant 0 : i32
    %dma_wait3A_346 = tpu.memref_slice %arg6[%dma_wait3A_343, %dma_wait3A_344, %dma_wait3A_345] : memref<7x16x1024xf32, #tpu.memory_space<vmem>> -> memref<1x16x1024xf32, #tpu.memory_space<vmem>>
    %dma_wait3A_347 = tpu.memref_squeeze %dma_wait3A_346 : memref<1x16x1024xf32, #tpu.memory_space<vmem>> -> memref<16x1024xf32, #tpu.memory_space<vmem>>
    %dma_wait3A_348 = arith.constant 80 : i32
    %dma_wait3A_349 = tpu.memref_slice %arg5[%dma_wait3A_348] : memref<256xi32, #tpu.memory_space<vmem>> -> memref<16xi32, #tpu.memory_space<vmem>>
    %dma_wait3A_350 = arith.constant 0 : i32
    %dma_wait3A_351 = arith.constant 0 : i32
    %dma_wait3A_352 = tpu.memref_slice %arg2[%dma_wait3A_350, %dma_wait3A_351] : memref<100000x1024xf32, #tpu.memory_space<hbm>> -> memref<100000x1024xf32, #tpu.memory_space<hbm>>
    tpu.wait_indirect_dma semaphore(%arg12 : memref<!tpu.dma_semaphore, #tpu.memory_space<semaphore_mem>>) src(%dma_wait3A_352 : memref<100000x1024xf32, #tpu.memory_space<hbm>>) dst(%dma_wait3A_347 : memref<16x1024xf32, #tpu.memory_space<vmem>>)
    %add3A_353 = arith.constant 80 : i32
    %add3A_354 = arith.addi %mul3A_2, %add3A_353 : i32
    %dma_start3A_355 = arith.constant 5 : i32
    %dma_start3A_356 = arith.constant 0 : i32
    %dma_start3A_357 = arith.constant 0 : i32
    %dma_start3A_358 = tpu.memref_slice %arg6[%dma_start3A_355, %dma_start3A_356, %dma_start3A_357] : memref<7x16x1024xf32, #tpu.memory_space<vmem>> -> memref<1x16x1024xf32, #tpu.memory_space<vmem>>
    %dma_start3A_359 = tpu.memref_squeeze %dma_start3A_358 : memref<1x16x1024xf32, #tpu.memory_space<vmem>> -> memref<16x1024xf32, #tpu.memory_space<vmem>>
    %dma_start3A_360 = arith.constant 0 : i32
    %dma_start3A_361 = tpu.memref_slice %arg4[%add3A_354, %dma_start3A_360] : memref<8192x1024xf32, #tpu.memory_space<hbm>> -> memref<16x1024xf32, #tpu.memory_space<hbm>>
    %dma_start3A_362 = arith.constant 0 : i32
    %dma_start3A_363 = tpu.memref_slice %arg4[%add3A_354, %dma_start3A_362] : memref<8192x1024xf32, #tpu.memory_space<hbm>> -> memref<16x1024xf32, #tpu.memory_space<hbm>>
    %dma_start3A_364 = arith.constant 0 : i32
    %dma_start3A_365 = arith.constant 0 : i32
    %dma_start3A_366 = tpu.memref_slice %arg6[%dma_start3A_355, %dma_start3A_364, %dma_start3A_365] : memref<7x16x1024xf32, #tpu.memory_space<vmem>> -> memref<1x16x1024xf32, #tpu.memory_space<vmem>>
    %dma_start3A_367 = tpu.memref_squeeze %dma_start3A_366 : memref<1x16x1024xf32, #tpu.memory_space<vmem>> -> memref<16x1024xf32, #tpu.memory_space<vmem>>
    tpu.enqueue_dma source(%dma_start3A_367 : memref<16x1024xf32, #tpu.memory_space<vmem>>) target(%dma_start3A_363 : memref<16x1024xf32, #tpu.memory_space<hbm>>) target_semaphore(%arg19 : memref<!tpu.dma_semaphore, #tpu.memory_space<semaphore_mem>>)
    %dma_wait3A_368 = arith.constant 5 : i32
    %dma_wait3A_369 = arith.constant 0 : i32
    %dma_wait3A_370 = arith.constant 0 : i32
    %dma_wait3A_371 = tpu.memref_slice %arg6[%dma_wait3A_368, %dma_wait3A_369, %dma_wait3A_370] : memref<7x16x1024xf32, #tpu.memory_space<vmem>> -> memref<1x16x1024xf32, #tpu.memory_space<vmem>>
    %dma_wait3A_372 = tpu.memref_squeeze %dma_wait3A_371 : memref<1x16x1024xf32, #tpu.memory_space<vmem>> -> memref<16x1024xf32, #tpu.memory_space<vmem>>
    %dma_wait3A_373 = arith.constant 0 : i32
    %dma_wait3A_374 = tpu.memref_slice %arg4[%add3A_354, %dma_wait3A_373] : memref<8192x1024xf32, #tpu.memory_space<hbm>> -> memref<16x1024xf32, #tpu.memory_space<hbm>>
    %dma_wait3A_375 = arith.constant 0 : i32
    %dma_wait3A_376 = tpu.memref_slice %arg4[%add3A_354, %dma_wait3A_375] : memref<8192x1024xf32, #tpu.memory_space<hbm>> -> memref<16x1024xf32, #tpu.memory_space<hbm>>
    %dma_wait3A_377 = arith.constant 0 : i32
    %dma_wait3A_378 = arith.constant 0 : i32
    %dma_wait3A_379 = tpu.memref_slice %arg6[%dma_wait3A_368, %dma_wait3A_377, %dma_wait3A_378] : memref<7x16x1024xf32, #tpu.memory_space<vmem>> -> memref<1x16x1024xf32, #tpu.memory_space<vmem>>
    %dma_wait3A_380 = tpu.memref_squeeze %dma_wait3A_379 : memref<1x16x1024xf32, #tpu.memory_space<vmem>> -> memref<16x1024xf32, #tpu.memory_space<vmem>>
    tpu.wait_dma2 semaphore(%arg19 : memref<!tpu.dma_semaphore, #tpu.memory_space<semaphore_mem>>) src(%dma_wait3A_380 : memref<16x1024xf32, #tpu.memory_space<vmem>>) dst(%dma_wait3A_376 : memref<16x1024xf32, #tpu.memory_space<hbm>>)
    %dma_start3A_381 = arith.constant 5 : i32
    %dma_start3A_382 = arith.constant 0 : i32
    %dma_start3A_383 = arith.constant 0 : i32
    %dma_start3A_384 = tpu.memref_slice %arg6[%dma_start3A_381, %dma_start3A_382, %dma_start3A_383] : memref<7x16x1024xf32, #tpu.memory_space<vmem>> -> memref<1x16x1024xf32, #tpu.memory_space<vmem>>
    %dma_start3A_385 = tpu.memref_squeeze %dma_start3A_384 : memref<1x16x1024xf32, #tpu.memory_space<vmem>> -> memref<16x1024xf32, #tpu.memory_space<vmem>>
    %dma_start3A_386 = arith.constant 192 : i32
    %dma_start3A_387 = tpu.memref_slice %arg5[%dma_start3A_386] : memref<256xi32, #tpu.memory_space<vmem>> -> memref<16xi32, #tpu.memory_space<vmem>>
    %dma_start3A_388 = arith.constant 0 : i32
    %dma_start3A_389 = arith.constant 0 : i32
    %dma_start3A_390 = tpu.memref_slice %arg2[%dma_start3A_388, %dma_start3A_389] : memref<100000x1024xf32, #tpu.memory_space<hbm>> -> memref<100000x1024xf32, #tpu.memory_space<hbm>>
    tpu.enqueue_indirect_dma source(%dma_start3A_390 : memref<100000x1024xf32, #tpu.memory_space<hbm>>) target(%dma_start3A_385 : memref<16x1024xf32, #tpu.memory_space<vmem>>) offsets(%dma_start3A_387 : memref<16xi32, #tpu.memory_space<vmem>>) semaphore(%arg12 : memref<!tpu.dma_semaphore, #tpu.memory_space<semaphore_mem>>)
    %dma_wait3A_391 = arith.constant 6 : i32
    %dma_wait3A_392 = arith.constant 0 : i32
    %dma_wait3A_393 = arith.constant 0 : i32
    %dma_wait3A_394 = tpu.memref_slice %arg6[%dma_wait3A_391, %dma_wait3A_392, %dma_wait3A_393] : memref<7x16x1024xf32, #tpu.memory_space<vmem>> -> memref<1x16x1024xf32, #tpu.memory_space<vmem>>
    %dma_wait3A_395 = tpu.memref_squeeze %dma_wait3A_394 : memref<1x16x1024xf32, #tpu.memory_space<vmem>> -> memref<16x1024xf32, #tpu.memory_space<vmem>>
    %dma_wait3A_396 = arith.constant 96 : i32
    %dma_wait3A_397 = tpu.memref_slice %arg5[%dma_wait3A_396] : memref<256xi32, #tpu.memory_space<vmem>> -> memref<16xi32, #tpu.memory_space<vmem>>
    %dma_wait3A_398 = arith.constant 0 : i32
    %dma_wait3A_399 = arith.constant 0 : i32
    %dma_wait3A_400 = tpu.memref_slice %arg2[%dma_wait3A_398, %dma_wait3A_399] : memref<100000x1024xf32, #tpu.memory_space<hbm>> -> memref<100000x1024xf32, #tpu.memory_space<hbm>>
    tpu.wait_indirect_dma semaphore(%arg13 : memref<!tpu.dma_semaphore, #tpu.memory_space<semaphore_mem>>) src(%dma_wait3A_400 : memref<100000x1024xf32, #tpu.memory_space<hbm>>) dst(%dma_wait3A_395 : memref<16x1024xf32, #tpu.memory_space<vmem>>)
    %add3A_401 = arith.constant 96 : i32
    %add3A_402 = arith.addi %mul3A_2, %add3A_401 : i32
    %dma_start3A_403 = arith.constant 6 : i32
    %dma_start3A_404 = arith.constant 0 : i32
    %dma_start3A_405 = arith.constant 0 : i32
    %dma_start3A_406 = tpu.memref_slice %arg6[%dma_start3A_403, %dma_start3A_404, %dma_start3A_405] : memref<7x16x1024xf32, #tpu.memory_space<vmem>> -> memref<1x16x1024xf32, #tpu.memory_space<vmem>>
    %dma_start3A_407 = tpu.memref_squeeze %dma_start3A_406 : memref<1x16x1024xf32, #tpu.memory_space<vmem>> -> memref<16x1024xf32, #tpu.memory_space<vmem>>
    %dma_start3A_408 = arith.constant 0 : i32
    %dma_start3A_409 = tpu.memref_slice %arg4[%add3A_402, %dma_start3A_408] : memref<8192x1024xf32, #tpu.memory_space<hbm>> -> memref<16x1024xf32, #tpu.memory_space<hbm>>
    %dma_start3A_410 = arith.constant 0 : i32
    %dma_start3A_411 = tpu.memref_slice %arg4[%add3A_402, %dma_start3A_410] : memref<8192x1024xf32, #tpu.memory_space<hbm>> -> memref<16x1024xf32, #tpu.memory_space<hbm>>
    %dma_start3A_412 = arith.constant 0 : i32
    %dma_start3A_413 = arith.constant 0 : i32
    %dma_start3A_414 = tpu.memref_slice %arg6[%dma_start3A_403, %dma_start3A_412, %dma_start3A_413] : memref<7x16x1024xf32, #tpu.memory_space<vmem>> -> memref<1x16x1024xf32, #tpu.memory_space<vmem>>
    %dma_start3A_415 = tpu.memref_squeeze %dma_start3A_414 : memref<1x16x1024xf32, #tpu.memory_space<vmem>> -> memref<16x1024xf32, #tpu.memory_space<vmem>>
    tpu.enqueue_dma source(%dma_start3A_415 : memref<16x1024xf32, #tpu.memory_space<vmem>>) target(%dma_start3A_411 : memref<16x1024xf32, #tpu.memory_space<hbm>>) target_semaphore(%arg20 : memref<!tpu.dma_semaphore, #tpu.memory_space<semaphore_mem>>)
    %dma_wait3A_416 = arith.constant 6 : i32
    %dma_wait3A_417 = arith.constant 0 : i32
    %dma_wait3A_418 = arith.constant 0 : i32
    %dma_wait3A_419 = tpu.memref_slice %arg6[%dma_wait3A_416, %dma_wait3A_417, %dma_wait3A_418] : memref<7x16x1024xf32, #tpu.memory_space<vmem>> -> memref<1x16x1024xf32, #tpu.memory_space<vmem>>
    %dma_wait3A_420 = tpu.memref_squeeze %dma_wait3A_419 : memref<1x16x1024xf32, #tpu.memory_space<vmem>> -> memref<16x1024xf32, #tpu.memory_space<vmem>>
    %dma_wait3A_421 = arith.constant 0 : i32
    %dma_wait3A_422 = tpu.memref_slice %arg4[%add3A_402, %dma_wait3A_421] : memref<8192x1024xf32, #tpu.memory_space<hbm>> -> memref<16x1024xf32, #tpu.memory_space<hbm>>
    %dma_wait3A_423 = arith.constant 0 : i32
    %dma_wait3A_424 = tpu.memref_slice %arg4[%add3A_402, %dma_wait3A_423] : memref<8192x1024xf32, #tpu.memory_space<hbm>> -> memref<16x1024xf32, #tpu.memory_space<hbm>>
    %dma_wait3A_425 = arith.constant 0 : i32
    %dma_wait3A_426 = arith.constant 0 : i32
    %dma_wait3A_427 = tpu.memref_slice %arg6[%dma_wait3A_416, %dma_wait3A_425, %dma_wait3A_426] : memref<7x16x1024xf32, #tpu.memory_space<vmem>> -> memref<1x16x1024xf32, #tpu.memory_space<vmem>>
    %dma_wait3A_428 = tpu.memref_squeeze %dma_wait3A_427 : memref<1x16x1024xf32, #tpu.memory_space<vmem>> -> memref<16x1024xf32, #tpu.memory_space<vmem>>
    tpu.wait_dma2 semaphore(%arg20 : memref<!tpu.dma_semaphore, #tpu.memory_space<semaphore_mem>>) src(%dma_wait3A_428 : memref<16x1024xf32, #tpu.memory_space<vmem>>) dst(%dma_wait3A_424 : memref<16x1024xf32, #tpu.memory_space<hbm>>)
    %dma_start3A_429 = arith.constant 6 : i32
    %dma_start3A_430 = arith.constant 0 : i32
    %dma_start3A_431 = arith.constant 0 : i32
    %dma_start3A_432 = tpu.memref_slice %arg6[%dma_start3A_429, %dma_start3A_430, %dma_start3A_431] : memref<7x16x1024xf32, #tpu.memory_space<vmem>> -> memref<1x16x1024xf32, #tpu.memory_space<vmem>>
    %dma_start3A_433 = tpu.memref_squeeze %dma_start3A_432 : memref<1x16x1024xf32, #tpu.memory_space<vmem>> -> memref<16x1024xf32, #tpu.memory_space<vmem>>
    %dma_start3A_434 = arith.constant 208 : i32
    %dma_start3A_435 = tpu.memref_slice %arg5[%dma_start3A_434] : memref<256xi32, #tpu.memory_space<vmem>> -> memref<16xi32, #tpu.memory_space<vmem>>
    %dma_start3A_436 = arith.constant 0 : i32
    %dma_start3A_437 = arith.constant 0 : i32
    %dma_start3A_438 = tpu.memref_slice %arg2[%dma_start3A_436, %dma_start3A_437] : memref<100000x1024xf32, #tpu.memory_space<hbm>> -> memref<100000x1024xf32, #tpu.memory_space<hbm>>
    tpu.enqueue_indirect_dma source(%dma_start3A_438 : memref<100000x1024xf32, #tpu.memory_space<hbm>>) target(%dma_start3A_433 : memref<16x1024xf32, #tpu.memory_space<vmem>>) offsets(%dma_start3A_435 : memref<16xi32, #tpu.memory_space<vmem>>) semaphore(%arg13 : memref<!tpu.dma_semaphore, #tpu.memory_space<semaphore_mem>>)
    %dma_wait3A_439 = arith.constant 0 : i32
    %dma_wait3A_440 = arith.constant 0 : i32
    %dma_wait3A_441 = arith.constant 0 : i32
    %dma_wait3A_442 = tpu.memref_slice %arg6[%dma_wait3A_439, %dma_wait3A_440, %dma_wait3A_441] : memref<7x16x1024xf32, #tpu.memory_space<vmem>> -> memref<1x16x1024xf32, #tpu.memory_space<vmem>>
    %dma_wait3A_443 = tpu.memref_squeeze %dma_wait3A_442 : memref<1x16x1024xf32, #tpu.memory_space<vmem>> -> memref<16x1024xf32, #tpu.memory_space<vmem>>
    %dma_wait3A_444 = arith.constant 112 : i32
    %dma_wait3A_445 = tpu.memref_slice %arg5[%dma_wait3A_444] : memref<256xi32, #tpu.memory_space<vmem>> -> memref<16xi32, #tpu.memory_space<vmem>>
    %dma_wait3A_446 = arith.constant 0 : i32
    %dma_wait3A_447 = arith.constant 0 : i32
    %dma_wait3A_448 = tpu.memref_slice %arg2[%dma_wait3A_446, %dma_wait3A_447] : memref<100000x1024xf32, #tpu.memory_space<hbm>> -> memref<100000x1024xf32, #tpu.memory_space<hbm>>
    tpu.wait_indirect_dma semaphore(%arg7 : memref<!tpu.dma_semaphore, #tpu.memory_space<semaphore_mem>>) src(%dma_wait3A_448 : memref<100000x1024xf32, #tpu.memory_space<hbm>>) dst(%dma_wait3A_443 : memref<16x1024xf32, #tpu.memory_space<vmem>>)
    %add3A_449 = arith.constant 112 : i32
    %add3A_450 = arith.addi %mul3A_2, %add3A_449 : i32
    %dma_start3A_451 = arith.constant 0 : i32
    %dma_start3A_452 = arith.constant 0 : i32
    %dma_start3A_453 = arith.constant 0 : i32
    %dma_start3A_454 = tpu.memref_slice %arg6[%dma_start3A_451, %dma_start3A_452, %dma_start3A_453] : memref<7x16x1024xf32, #tpu.memory_space<vmem>> -> memref<1x16x1024xf32, #tpu.memory_space<vmem>>
    %dma_start3A_455 = tpu.memref_squeeze %dma_start3A_454 : memref<1x16x1024xf32, #tpu.memory_space<vmem>> -> memref<16x1024xf32, #tpu.memory_space<vmem>>
    %dma_start3A_456 = arith.constant 0 : i32
    %dma_start3A_457 = tpu.memref_slice %arg4[%add3A_450, %dma_start3A_456] : memref<8192x1024xf32, #tpu.memory_space<hbm>> -> memref<16x1024xf32, #tpu.memory_space<hbm>>
    %dma_start3A_458 = arith.constant 0 : i32
    %dma_start3A_459 = tpu.memref_slice %arg4[%add3A_450, %dma_start3A_458] : memref<8192x1024xf32, #tpu.memory_space<hbm>> -> memref<16x1024xf32, #tpu.memory_space<hbm>>
    %dma_start3A_460 = arith.constant 0 : i32
    %dma_start3A_461 = arith.constant 0 : i32
    %dma_start3A_462 = tpu.memref_slice %arg6[%dma_start3A_451, %dma_start3A_460, %dma_start3A_461] : memref<7x16x1024xf32, #tpu.memory_space<vmem>> -> memref<1x16x1024xf32, #tpu.memory_space<vmem>>
    %dma_start3A_463 = tpu.memref_squeeze %dma_start3A_462 : memref<1x16x1024xf32, #tpu.memory_space<vmem>> -> memref<16x1024xf32, #tpu.memory_space<vmem>>
    tpu.enqueue_dma source(%dma_start3A_463 : memref<16x1024xf32, #tpu.memory_space<vmem>>) target(%dma_start3A_459 : memref<16x1024xf32, #tpu.memory_space<hbm>>) target_semaphore(%arg14 : memref<!tpu.dma_semaphore, #tpu.memory_space<semaphore_mem>>)
    %dma_wait3A_464 = arith.constant 0 : i32
    %dma_wait3A_465 = arith.constant 0 : i32
    %dma_wait3A_466 = arith.constant 0 : i32
    %dma_wait3A_467 = tpu.memref_slice %arg6[%dma_wait3A_464, %dma_wait3A_465, %dma_wait3A_466] : memref<7x16x1024xf32, #tpu.memory_space<vmem>> -> memref<1x16x1024xf32, #tpu.memory_space<vmem>>
    %dma_wait3A_468 = tpu.memref_squeeze %dma_wait3A_467 : memref<1x16x1024xf32, #tpu.memory_space<vmem>> -> memref<16x1024xf32, #tpu.memory_space<vmem>>
    %dma_wait3A_469 = arith.constant 0 : i32
    %dma_wait3A_470 = tpu.memref_slice %arg4[%add3A_450, %dma_wait3A_469] : memref<8192x1024xf32, #tpu.memory_space<hbm>> -> memref<16x1024xf32, #tpu.memory_space<hbm>>
    %dma_wait3A_471 = arith.constant 0 : i32
    %dma_wait3A_472 = tpu.memref_slice %arg4[%add3A_450, %dma_wait3A_471] : memref<8192x1024xf32, #tpu.memory_space<hbm>> -> memref<16x1024xf32, #tpu.memory_space<hbm>>
    %dma_wait3A_473 = arith.constant 0 : i32
    %dma_wait3A_474 = arith.constant 0 : i32
    %dma_wait3A_475 = tpu.memref_slice %arg6[%dma_wait3A_464, %dma_wait3A_473, %dma_wait3A_474] : memref<7x16x1024xf32, #tpu.memory_space<vmem>> -> memref<1x16x1024xf32, #tpu.memory_space<vmem>>
    %dma_wait3A_476 = tpu.memref_squeeze %dma_wait3A_475 : memref<1x16x1024xf32, #tpu.memory_space<vmem>> -> memref<16x1024xf32, #tpu.memory_space<vmem>>
    tpu.wait_dma2 semaphore(%arg14 : memref<!tpu.dma_semaphore, #tpu.memory_space<semaphore_mem>>) src(%dma_wait3A_476 : memref<16x1024xf32, #tpu.memory_space<vmem>>) dst(%dma_wait3A_472 : memref<16x1024xf32, #tpu.memory_space<hbm>>)
    %dma_start3A_477 = arith.constant 0 : i32
    %dma_start3A_478 = arith.constant 0 : i32
    %dma_start3A_479 = arith.constant 0 : i32
    %dma_start3A_480 = tpu.memref_slice %arg6[%dma_start3A_477, %dma_start3A_478, %dma_start3A_479] : memref<7x16x1024xf32, #tpu.memory_space<vmem>> -> memref<1x16x1024xf32, #tpu.memory_space<vmem>>
    %dma_start3A_481 = tpu.memref_squeeze %dma_start3A_480 : memref<1x16x1024xf32, #tpu.memory_space<vmem>> -> memref<16x1024xf32, #tpu.memory_space<vmem>>
    %dma_start3A_482 = arith.constant 224 : i32
    %dma_start3A_483 = tpu.memref_slice %arg5[%dma_start3A_482] : memref<256xi32, #tpu.memory_space<vmem>> -> memref<16xi32, #tpu.memory_space<vmem>>
    %dma_start3A_484 = arith.constant 0 : i32
    %dma_start3A_485 = arith.constant 0 : i32
    %dma_start3A_486 = tpu.memref_slice %arg2[%dma_start3A_484, %dma_start3A_485] : memref<100000x1024xf32, #tpu.memory_space<hbm>> -> memref<100000x1024xf32, #tpu.memory_space<hbm>>
    tpu.enqueue_indirect_dma source(%dma_start3A_486 : memref<100000x1024xf32, #tpu.memory_space<hbm>>) target(%dma_start3A_481 : memref<16x1024xf32, #tpu.memory_space<vmem>>) offsets(%dma_start3A_483 : memref<16xi32, #tpu.memory_space<vmem>>) semaphore(%arg7 : memref<!tpu.dma_semaphore, #tpu.memory_space<semaphore_mem>>)
    %dma_wait3A_487 = arith.constant 1 : i32
    %dma_wait3A_488 = arith.constant 0 : i32
    %dma_wait3A_489 = arith.constant 0 : i32
    %dma_wait3A_490 = tpu.memref_slice %arg6[%dma_wait3A_487, %dma_wait3A_488, %dma_wait3A_489] : memref<7x16x1024xf32, #tpu.memory_space<vmem>> -> memref<1x16x1024xf32, #tpu.memory_space<vmem>>
    %dma_wait3A_491 = tpu.memref_squeeze %dma_wait3A_490 : memref<1x16x1024xf32, #tpu.memory_space<vmem>> -> memref<16x1024xf32, #tpu.memory_space<vmem>>
    %dma_wait3A_492 = arith.constant 128 : i32
    %dma_wait3A_493 = tpu.memref_slice %arg5[%dma_wait3A_492] : memref<256xi32, #tpu.memory_space<vmem>> -> memref<16xi32, #tpu.memory_space<vmem>>
    %dma_wait3A_494 = arith.constant 0 : i32
    %dma_wait3A_495 = arith.constant 0 : i32
    %dma_wait3A_496 = tpu.memref_slice %arg2[%dma_wait3A_494, %dma_wait3A_495] : memref<100000x1024xf32, #tpu.memory_space<hbm>> -> memref<100000x1024xf32, #tpu.memory_space<hbm>>
    tpu.wait_indirect_dma semaphore(%arg8 : memref<!tpu.dma_semaphore, #tpu.memory_space<semaphore_mem>>) src(%dma_wait3A_496 : memref<100000x1024xf32, #tpu.memory_space<hbm>>) dst(%dma_wait3A_491 : memref<16x1024xf32, #tpu.memory_space<vmem>>)
    %add3A_497 = arith.constant 128 : i32
    %add3A_498 = arith.addi %mul3A_2, %add3A_497 : i32
    %dma_start3A_499 = arith.constant 1 : i32
    %dma_start3A_500 = arith.constant 0 : i32
    %dma_start3A_501 = arith.constant 0 : i32
    %dma_start3A_502 = tpu.memref_slice %arg6[%dma_start3A_499, %dma_start3A_500, %dma_start3A_501] : memref<7x16x1024xf32, #tpu.memory_space<vmem>> -> memref<1x16x1024xf32, #tpu.memory_space<vmem>>
    %dma_start3A_503 = tpu.memref_squeeze %dma_start3A_502 : memref<1x16x1024xf32, #tpu.memory_space<vmem>> -> memref<16x1024xf32, #tpu.memory_space<vmem>>
    %dma_start3A_504 = arith.constant 0 : i32
    %dma_start3A_505 = tpu.memref_slice %arg4[%add3A_498, %dma_start3A_504] : memref<8192x1024xf32, #tpu.memory_space<hbm>> -> memref<16x1024xf32, #tpu.memory_space<hbm>>
    %dma_start3A_506 = arith.constant 0 : i32
    %dma_start3A_507 = tpu.memref_slice %arg4[%add3A_498, %dma_start3A_506] : memref<8192x1024xf32, #tpu.memory_space<hbm>> -> memref<16x1024xf32, #tpu.memory_space<hbm>>
    %dma_start3A_508 = arith.constant 0 : i32
    %dma_start3A_509 = arith.constant 0 : i32
    %dma_start3A_510 = tpu.memref_slice %arg6[%dma_start3A_499, %dma_start3A_508, %dma_start3A_509] : memref<7x16x1024xf32, #tpu.memory_space<vmem>> -> memref<1x16x1024xf32, #tpu.memory_space<vmem>>
    %dma_start3A_511 = tpu.memref_squeeze %dma_start3A_510 : memref<1x16x1024xf32, #tpu.memory_space<vmem>> -> memref<16x1024xf32, #tpu.memory_space<vmem>>
    tpu.enqueue_dma source(%dma_start3A_511 : memref<16x1024xf32, #tpu.memory_space<vmem>>) target(%dma_start3A_507 : memref<16x1024xf32, #tpu.memory_space<hbm>>) target_semaphore(%arg15 : memref<!tpu.dma_semaphore, #tpu.memory_space<semaphore_mem>>)
    %dma_wait3A_512 = arith.constant 1 : i32
    %dma_wait3A_513 = arith.constant 0 : i32
    %dma_wait3A_514 = arith.constant 0 : i32
    %dma_wait3A_515 = tpu.memref_slice %arg6[%dma_wait3A_512, %dma_wait3A_513, %dma_wait3A_514] : memref<7x16x1024xf32, #tpu.memory_space<vmem>> -> memref<1x16x1024xf32, #tpu.memory_space<vmem>>
    %dma_wait3A_516 = tpu.memref_squeeze %dma_wait3A_515 : memref<1x16x1024xf32, #tpu.memory_space<vmem>> -> memref<16x1024xf32, #tpu.memory_space<vmem>>
    %dma_wait3A_517 = arith.constant 0 : i32
    %dma_wait3A_518 = tpu.memref_slice %arg4[%add3A_498, %dma_wait3A_517] : memref<8192x1024xf32, #tpu.memory_space<hbm>> -> memref<16x1024xf32, #tpu.memory_space<hbm>>
    %dma_wait3A_519 = arith.constant 0 : i32
    %dma_wait3A_520 = tpu.memref_slice %arg4[%add3A_498, %dma_wait3A_519] : memref<8192x1024xf32, #tpu.memory_space<hbm>> -> memref<16x1024xf32, #tpu.memory_space<hbm>>
    %dma_wait3A_521 = arith.constant 0 : i32
    %dma_wait3A_522 = arith.constant 0 : i32
    %dma_wait3A_523 = tpu.memref_slice %arg6[%dma_wait3A_512, %dma_wait3A_521, %dma_wait3A_522] : memref<7x16x1024xf32, #tpu.memory_space<vmem>> -> memref<1x16x1024xf32, #tpu.memory_space<vmem>>
    %dma_wait3A_524 = tpu.memref_squeeze %dma_wait3A_523 : memref<1x16x1024xf32, #tpu.memory_space<vmem>> -> memref<16x1024xf32, #tpu.memory_space<vmem>>
    tpu.wait_dma2 semaphore(%arg15 : memref<!tpu.dma_semaphore, #tpu.memory_space<semaphore_mem>>) src(%dma_wait3A_524 : memref<16x1024xf32, #tpu.memory_space<vmem>>) dst(%dma_wait3A_520 : memref<16x1024xf32, #tpu.memory_space<hbm>>)
    %dma_start3A_525 = arith.constant 1 : i32
    %dma_start3A_526 = arith.constant 0 : i32
    %dma_start3A_527 = arith.constant 0 : i32
    %dma_start3A_528 = tpu.memref_slice %arg6[%dma_start3A_525, %dma_start3A_526, %dma_start3A_527] : memref<7x16x1024xf32, #tpu.memory_space<vmem>> -> memref<1x16x1024xf32, #tpu.memory_space<vmem>>
    %dma_start3A_529 = tpu.memref_squeeze %dma_start3A_528 : memref<1x16x1024xf32, #tpu.memory_space<vmem>> -> memref<16x1024xf32, #tpu.memory_space<vmem>>
    %dma_start3A_530 = arith.constant 240 : i32
    %dma_start3A_531 = tpu.memref_slice %arg5[%dma_start3A_530] : memref<256xi32, #tpu.memory_space<vmem>> -> memref<16xi32, #tpu.memory_space<vmem>>
    %dma_start3A_532 = arith.constant 0 : i32
    %dma_start3A_533 = arith.constant 0 : i32
    %dma_start3A_534 = tpu.memref_slice %arg2[%dma_start3A_532, %dma_start3A_533] : memref<100000x1024xf32, #tpu.memory_space<hbm>> -> memref<100000x1024xf32, #tpu.memory_space<hbm>>
    tpu.enqueue_indirect_dma source(%dma_start3A_534 : memref<100000x1024xf32, #tpu.memory_space<hbm>>) target(%dma_start3A_529 : memref<16x1024xf32, #tpu.memory_space<vmem>>) offsets(%dma_start3A_531 : memref<16xi32, #tpu.memory_space<vmem>>) semaphore(%arg8 : memref<!tpu.dma_semaphore, #tpu.memory_space<semaphore_mem>>)
    %dma_wait3A_535 = arith.constant 2 : i32
    %dma_wait3A_536 = arith.constant 0 : i32
    %dma_wait3A_537 = arith.constant 0 : i32
    %dma_wait3A_538 = tpu.memref_slice %arg6[%dma_wait3A_535, %dma_wait3A_536, %dma_wait3A_537] : memref<7x16x1024xf32, #tpu.memory_space<vmem>> -> memref<1x16x1024xf32, #tpu.memory_space<vmem>>
    %dma_wait3A_539 = tpu.memref_squeeze %dma_wait3A_538 : memref<1x16x1024xf32, #tpu.memory_space<vmem>> -> memref<16x1024xf32, #tpu.memory_space<vmem>>
    %dma_wait3A_540 = arith.constant 144 : i32
    %dma_wait3A_541 = tpu.memref_slice %arg5[%dma_wait3A_540] : memref<256xi32, #tpu.memory_space<vmem>> -> memref<16xi32, #tpu.memory_space<vmem>>
    %dma_wait3A_542 = arith.constant 0 : i32
    %dma_wait3A_543 = arith.constant 0 : i32
    %dma_wait3A_544 = tpu.memref_slice %arg2[%dma_wait3A_542, %dma_wait3A_543] : memref<100000x1024xf32, #tpu.memory_space<hbm>> -> memref<100000x1024xf32, #tpu.memory_space<hbm>>
    tpu.wait_indirect_dma semaphore(%arg9 : memref<!tpu.dma_semaphore, #tpu.memory_space<semaphore_mem>>) src(%dma_wait3A_544 : memref<100000x1024xf32, #tpu.memory_space<hbm>>) dst(%dma_wait3A_539 : memref<16x1024xf32, #tpu.memory_space<vmem>>)
    %add3A_545 = arith.constant 144 : i32
    %add3A_546 = arith.addi %mul3A_2, %add3A_545 : i32
    %dma_start3A_547 = arith.constant 2 : i32
    %dma_start3A_548 = arith.constant 0 : i32
    %dma_start3A_549 = arith.constant 0 : i32
    %dma_start3A_550 = tpu.memref_slice %arg6[%dma_start3A_547, %dma_start3A_548, %dma_start3A_549] : memref<7x16x1024xf32, #tpu.memory_space<vmem>> -> memref<1x16x1024xf32, #tpu.memory_space<vmem>>
    %dma_start3A_551 = tpu.memref_squeeze %dma_start3A_550 : memref<1x16x1024xf32, #tpu.memory_space<vmem>> -> memref<16x1024xf32, #tpu.memory_space<vmem>>
    %dma_start3A_552 = arith.constant 0 : i32
    %dma_start3A_553 = tpu.memref_slice %arg4[%add3A_546, %dma_start3A_552] : memref<8192x1024xf32, #tpu.memory_space<hbm>> -> memref<16x1024xf32, #tpu.memory_space<hbm>>
    %dma_start3A_554 = arith.constant 0 : i32
    %dma_start3A_555 = tpu.memref_slice %arg4[%add3A_546, %dma_start3A_554] : memref<8192x1024xf32, #tpu.memory_space<hbm>> -> memref<16x1024xf32, #tpu.memory_space<hbm>>
    %dma_start3A_556 = arith.constant 0 : i32
    %dma_start3A_557 = arith.constant 0 : i32
    %dma_start3A_558 = tpu.memref_slice %arg6[%dma_start3A_547, %dma_start3A_556, %dma_start3A_557] : memref<7x16x1024xf32, #tpu.memory_space<vmem>> -> memref<1x16x1024xf32, #tpu.memory_space<vmem>>
    %dma_start3A_559 = tpu.memref_squeeze %dma_start3A_558 : memref<1x16x1024xf32, #tpu.memory_space<vmem>> -> memref<16x1024xf32, #tpu.memory_space<vmem>>
    tpu.enqueue_dma source(%dma_start3A_559 : memref<16x1024xf32, #tpu.memory_space<vmem>>) target(%dma_start3A_555 : memref<16x1024xf32, #tpu.memory_space<hbm>>) target_semaphore(%arg16 : memref<!tpu.dma_semaphore, #tpu.memory_space<semaphore_mem>>)
    %dma_wait3A_560 = arith.constant 3 : i32
    %dma_wait3A_561 = arith.constant 0 : i32
    %dma_wait3A_562 = arith.constant 0 : i32
    %dma_wait3A_563 = tpu.memref_slice %arg6[%dma_wait3A_560, %dma_wait3A_561, %dma_wait3A_562] : memref<7x16x1024xf32, #tpu.memory_space<vmem>> -> memref<1x16x1024xf32, #tpu.memory_space<vmem>>
    %dma_wait3A_564 = tpu.memref_squeeze %dma_wait3A_563 : memref<1x16x1024xf32, #tpu.memory_space<vmem>> -> memref<16x1024xf32, #tpu.memory_space<vmem>>
    %dma_wait3A_565 = arith.constant 160 : i32
    %dma_wait3A_566 = tpu.memref_slice %arg5[%dma_wait3A_565] : memref<256xi32, #tpu.memory_space<vmem>> -> memref<16xi32, #tpu.memory_space<vmem>>
    %dma_wait3A_567 = arith.constant 0 : i32
    %dma_wait3A_568 = arith.constant 0 : i32
    %dma_wait3A_569 = tpu.memref_slice %arg2[%dma_wait3A_567, %dma_wait3A_568] : memref<100000x1024xf32, #tpu.memory_space<hbm>> -> memref<100000x1024xf32, #tpu.memory_space<hbm>>
    tpu.wait_indirect_dma semaphore(%arg10 : memref<!tpu.dma_semaphore, #tpu.memory_space<semaphore_mem>>) src(%dma_wait3A_569 : memref<100000x1024xf32, #tpu.memory_space<hbm>>) dst(%dma_wait3A_564 : memref<16x1024xf32, #tpu.memory_space<vmem>>)
    %add3A_570 = arith.constant 160 : i32
    %add3A_571 = arith.addi %mul3A_2, %add3A_570 : i32
    %dma_start3A_572 = arith.constant 3 : i32
    %dma_start3A_573 = arith.constant 0 : i32
    %dma_start3A_574 = arith.constant 0 : i32
    %dma_start3A_575 = tpu.memref_slice %arg6[%dma_start3A_572, %dma_start3A_573, %dma_start3A_574] : memref<7x16x1024xf32, #tpu.memory_space<vmem>> -> memref<1x16x1024xf32, #tpu.memory_space<vmem>>
    %dma_start3A_576 = tpu.memref_squeeze %dma_start3A_575 : memref<1x16x1024xf32, #tpu.memory_space<vmem>> -> memref<16x1024xf32, #tpu.memory_space<vmem>>
    %dma_start3A_577 = arith.constant 0 : i32
    %dma_start3A_578 = tpu.memref_slice %arg4[%add3A_571, %dma_start3A_577] : memref<8192x1024xf32, #tpu.memory_space<hbm>> -> memref<16x1024xf32, #tpu.memory_space<hbm>>
    %dma_start3A_579 = arith.constant 0 : i32
    %dma_start3A_580 = tpu.memref_slice %arg4[%add3A_571, %dma_start3A_579] : memref<8192x1024xf32, #tpu.memory_space<hbm>> -> memref<16x1024xf32, #tpu.memory_space<hbm>>
    %dma_start3A_581 = arith.constant 0 : i32
    %dma_start3A_582 = arith.constant 0 : i32
    %dma_start3A_583 = tpu.memref_slice %arg6[%dma_start3A_572, %dma_start3A_581, %dma_start3A_582] : memref<7x16x1024xf32, #tpu.memory_space<vmem>> -> memref<1x16x1024xf32, #tpu.memory_space<vmem>>
    %dma_start3A_584 = tpu.memref_squeeze %dma_start3A_583 : memref<1x16x1024xf32, #tpu.memory_space<vmem>> -> memref<16x1024xf32, #tpu.memory_space<vmem>>
    tpu.enqueue_dma source(%dma_start3A_584 : memref<16x1024xf32, #tpu.memory_space<vmem>>) target(%dma_start3A_580 : memref<16x1024xf32, #tpu.memory_space<hbm>>) target_semaphore(%arg17 : memref<!tpu.dma_semaphore, #tpu.memory_space<semaphore_mem>>)
    %dma_wait3A_585 = arith.constant 4 : i32
    %dma_wait3A_586 = arith.constant 0 : i32
    %dma_wait3A_587 = arith.constant 0 : i32
    %dma_wait3A_588 = tpu.memref_slice %arg6[%dma_wait3A_585, %dma_wait3A_586, %dma_wait3A_587] : memref<7x16x1024xf32, #tpu.memory_space<vmem>> -> memref<1x16x1024xf32, #tpu.memory_space<vmem>>
    %dma_wait3A_589 = tpu.memref_squeeze %dma_wait3A_588 : memref<1x16x1024xf32, #tpu.memory_space<vmem>> -> memref<16x1024xf32, #tpu.memory_space<vmem>>
    %dma_wait3A_590 = arith.constant 176 : i32
    %dma_wait3A_591 = tpu.memref_slice %arg5[%dma_wait3A_590] : memref<256xi32, #tpu.memory_space<vmem>> -> memref<16xi32, #tpu.memory_space<vmem>>
    %dma_wait3A_592 = arith.constant 0 : i32
    %dma_wait3A_593 = arith.constant 0 : i32
    %dma_wait3A_594 = tpu.memref_slice %arg2[%dma_wait3A_592, %dma_wait3A_593] : memref<100000x1024xf32, #tpu.memory_space<hbm>> -> memref<100000x1024xf32, #tpu.memory_space<hbm>>
    tpu.wait_indirect_dma semaphore(%arg11 : memref<!tpu.dma_semaphore, #tpu.memory_space<semaphore_mem>>) src(%dma_wait3A_594 : memref<100000x1024xf32, #tpu.memory_space<hbm>>) dst(%dma_wait3A_589 : memref<16x1024xf32, #tpu.memory_space<vmem>>)
    %add3A_595 = arith.constant 176 : i32
    %add3A_596 = arith.addi %mul3A_2, %add3A_595 : i32
    %dma_start3A_597 = arith.constant 4 : i32
    %dma_start3A_598 = arith.constant 0 : i32
    %dma_start3A_599 = arith.constant 0 : i32
    %dma_start3A_600 = tpu.memref_slice %arg6[%dma_start3A_597, %dma_start3A_598, %dma_start3A_599] : memref<7x16x1024xf32, #tpu.memory_space<vmem>> -> memref<1x16x1024xf32, #tpu.memory_space<vmem>>
    %dma_start3A_601 = tpu.memref_squeeze %dma_start3A_600 : memref<1x16x1024xf32, #tpu.memory_space<vmem>> -> memref<16x1024xf32, #tpu.memory_space<vmem>>
    %dma_start3A_602 = arith.constant 0 : i32
    %dma_start3A_603 = tpu.memref_slice %arg4[%add3A_596, %dma_start3A_602] : memref<8192x1024xf32, #tpu.memory_space<hbm>> -> memref<16x1024xf32, #tpu.memory_space<hbm>>
    %dma_start3A_604 = arith.constant 0 : i32
    %dma_start3A_605 = tpu.memref_slice %arg4[%add3A_596, %dma_start3A_604] : memref<8192x1024xf32, #tpu.memory_space<hbm>> -> memref<16x1024xf32, #tpu.memory_space<hbm>>
    %dma_start3A_606 = arith.constant 0 : i32
    %dma_start3A_607 = arith.constant 0 : i32
    %dma_start3A_608 = tpu.memref_slice %arg6[%dma_start3A_597, %dma_start3A_606, %dma_start3A_607] : memref<7x16x1024xf32, #tpu.memory_space<vmem>> -> memref<1x16x1024xf32, #tpu.memory_space<vmem>>
    %dma_start3A_609 = tpu.memref_squeeze %dma_start3A_608 : memref<1x16x1024xf32, #tpu.memory_space<vmem>> -> memref<16x1024xf32, #tpu.memory_space<vmem>>
    tpu.enqueue_dma source(%dma_start3A_609 : memref<16x1024xf32, #tpu.memory_space<vmem>>) target(%dma_start3A_605 : memref<16x1024xf32, #tpu.memory_space<hbm>>) target_semaphore(%arg18 : memref<!tpu.dma_semaphore, #tpu.memory_space<semaphore_mem>>)
    %dma_wait3A_610 = arith.constant 5 : i32
    %dma_wait3A_611 = arith.constant 0 : i32
    %dma_wait3A_612 = arith.constant 0 : i32
    %dma_wait3A_613 = tpu.memref_slice %arg6[%dma_wait3A_610, %dma_wait3A_611, %dma_wait3A_612] : memref<7x16x1024xf32, #tpu.memory_space<vmem>> -> memref<1x16x1024xf32, #tpu.memory_space<vmem>>
    %dma_wait3A_614 = tpu.memref_squeeze %dma_wait3A_613 : memref<1x16x1024xf32, #tpu.memory_space<vmem>> -> memref<16x1024xf32, #tpu.memory_space<vmem>>
    %dma_wait3A_615 = arith.constant 192 : i32
    %dma_wait3A_616 = tpu.memref_slice %arg5[%dma_wait3A_615] : memref<256xi32, #tpu.memory_space<vmem>> -> memref<16xi32, #tpu.memory_space<vmem>>
    %dma_wait3A_617 = arith.constant 0 : i32
    %dma_wait3A_618 = arith.constant 0 : i32
    %dma_wait3A_619 = tpu.memref_slice %arg2[%dma_wait3A_617, %dma_wait3A_618] : memref<100000x1024xf32, #tpu.memory_space<hbm>> -> memref<100000x1024xf32, #tpu.memory_space<hbm>>
    tpu.wait_indirect_dma semaphore(%arg12 : memref<!tpu.dma_semaphore, #tpu.memory_space<semaphore_mem>>) src(%dma_wait3A_619 : memref<100000x1024xf32, #tpu.memory_space<hbm>>) dst(%dma_wait3A_614 : memref<16x1024xf32, #tpu.memory_space<vmem>>)
    %add3A_620 = arith.constant 192 : i32
    %add3A_621 = arith.addi %mul3A_2, %add3A_620 : i32
    %dma_start3A_622 = arith.constant 5 : i32
    %dma_start3A_623 = arith.constant 0 : i32
    %dma_start3A_624 = arith.constant 0 : i32
    %dma_start3A_625 = tpu.memref_slice %arg6[%dma_start3A_622, %dma_start3A_623, %dma_start3A_624] : memref<7x16x1024xf32, #tpu.memory_space<vmem>> -> memref<1x16x1024xf32, #tpu.memory_space<vmem>>
    %dma_start3A_626 = tpu.memref_squeeze %dma_start3A_625 : memref<1x16x1024xf32, #tpu.memory_space<vmem>> -> memref<16x1024xf32, #tpu.memory_space<vmem>>
    %dma_start3A_627 = arith.constant 0 : i32
    %dma_start3A_628 = tpu.memref_slice %arg4[%add3A_621, %dma_start3A_627] : memref<8192x1024xf32, #tpu.memory_space<hbm>> -> memref<16x1024xf32, #tpu.memory_space<hbm>>
    %dma_start3A_629 = arith.constant 0 : i32
    %dma_start3A_630 = tpu.memref_slice %arg4[%add3A_621, %dma_start3A_629] : memref<8192x1024xf32, #tpu.memory_space<hbm>> -> memref<16x1024xf32, #tpu.memory_space<hbm>>
    %dma_start3A_631 = arith.constant 0 : i32
    %dma_start3A_632 = arith.constant 0 : i32
    %dma_start3A_633 = tpu.memref_slice %arg6[%dma_start3A_622, %dma_start3A_631, %dma_start3A_632] : memref<7x16x1024xf32, #tpu.memory_space<vmem>> -> memref<1x16x1024xf32, #tpu.memory_space<vmem>>
    %dma_start3A_634 = tpu.memref_squeeze %dma_start3A_633 : memref<1x16x1024xf32, #tpu.memory_space<vmem>> -> memref<16x1024xf32, #tpu.memory_space<vmem>>
    tpu.enqueue_dma source(%dma_start3A_634 : memref<16x1024xf32, #tpu.memory_space<vmem>>) target(%dma_start3A_630 : memref<16x1024xf32, #tpu.memory_space<hbm>>) target_semaphore(%arg19 : memref<!tpu.dma_semaphore, #tpu.memory_space<semaphore_mem>>)
    %dma_wait3A_635 = arith.constant 6 : i32
    %dma_wait3A_636 = arith.constant 0 : i32
    %dma_wait3A_637 = arith.constant 0 : i32
    %dma_wait3A_638 = tpu.memref_slice %arg6[%dma_wait3A_635, %dma_wait3A_636, %dma_wait3A_637] : memref<7x16x1024xf32, #tpu.memory_space<vmem>> -> memref<1x16x1024xf32, #tpu.memory_space<vmem>>
    %dma_wait3A_639 = tpu.memref_squeeze %dma_wait3A_638 : memref<1x16x1024xf32, #tpu.memory_space<vmem>> -> memref<16x1024xf32, #tpu.memory_space<vmem>>
    %dma_wait3A_640 = arith.constant 208 : i32
    %dma_wait3A_641 = tpu.memref_slice %arg5[%dma_wait3A_640] : memref<256xi32, #tpu.memory_space<vmem>> -> memref<16xi32, #tpu.memory_space<vmem>>
    %dma_wait3A_642 = arith.constant 0 : i32
    %dma_wait3A_643 = arith.constant 0 : i32
    %dma_wait3A_644 = tpu.memref_slice %arg2[%dma_wait3A_642, %dma_wait3A_643] : memref<100000x1024xf32, #tpu.memory_space<hbm>> -> memref<100000x1024xf32, #tpu.memory_space<hbm>>
    tpu.wait_indirect_dma semaphore(%arg13 : memref<!tpu.dma_semaphore, #tpu.memory_space<semaphore_mem>>) src(%dma_wait3A_644 : memref<100000x1024xf32, #tpu.memory_space<hbm>>) dst(%dma_wait3A_639 : memref<16x1024xf32, #tpu.memory_space<vmem>>)
    %add3A_645 = arith.constant 208 : i32
    %add3A_646 = arith.addi %mul3A_2, %add3A_645 : i32
    %dma_start3A_647 = arith.constant 6 : i32
    %dma_start3A_648 = arith.constant 0 : i32
    %dma_start3A_649 = arith.constant 0 : i32
    %dma_start3A_650 = tpu.memref_slice %arg6[%dma_start3A_647, %dma_start3A_648, %dma_start3A_649] : memref<7x16x1024xf32, #tpu.memory_space<vmem>> -> memref<1x16x1024xf32, #tpu.memory_space<vmem>>
    %dma_start3A_651 = tpu.memref_squeeze %dma_start3A_650 : memref<1x16x1024xf32, #tpu.memory_space<vmem>> -> memref<16x1024xf32, #tpu.memory_space<vmem>>
    %dma_start3A_652 = arith.constant 0 : i32
    %dma_start3A_653 = tpu.memref_slice %arg4[%add3A_646, %dma_start3A_652] : memref<8192x1024xf32, #tpu.memory_space<hbm>> -> memref<16x1024xf32, #tpu.memory_space<hbm>>
    %dma_start3A_654 = arith.constant 0 : i32
    %dma_start3A_655 = tpu.memref_slice %arg4[%add3A_646, %dma_start3A_654] : memref<8192x1024xf32, #tpu.memory_space<hbm>> -> memref<16x1024xf32, #tpu.memory_space<hbm>>
    %dma_start3A_656 = arith.constant 0 : i32
    %dma_start3A_657 = arith.constant 0 : i32
    %dma_start3A_658 = tpu.memref_slice %arg6[%dma_start3A_647, %dma_start3A_656, %dma_start3A_657] : memref<7x16x1024xf32, #tpu.memory_space<vmem>> -> memref<1x16x1024xf32, #tpu.memory_space<vmem>>
    %dma_start3A_659 = tpu.memref_squeeze %dma_start3A_658 : memref<1x16x1024xf32, #tpu.memory_space<vmem>> -> memref<16x1024xf32, #tpu.memory_space<vmem>>
    tpu.enqueue_dma source(%dma_start3A_659 : memref<16x1024xf32, #tpu.memory_space<vmem>>) target(%dma_start3A_655 : memref<16x1024xf32, #tpu.memory_space<hbm>>) target_semaphore(%arg20 : memref<!tpu.dma_semaphore, #tpu.memory_space<semaphore_mem>>)
    %dma_wait3A_660 = arith.constant 0 : i32
    %dma_wait3A_661 = arith.constant 0 : i32
    %dma_wait3A_662 = arith.constant 0 : i32
    %dma_wait3A_663 = tpu.memref_slice %arg6[%dma_wait3A_660, %dma_wait3A_661, %dma_wait3A_662] : memref<7x16x1024xf32, #tpu.memory_space<vmem>> -> memref<1x16x1024xf32, #tpu.memory_space<vmem>>
    %dma_wait3A_664 = tpu.memref_squeeze %dma_wait3A_663 : memref<1x16x1024xf32, #tpu.memory_space<vmem>> -> memref<16x1024xf32, #tpu.memory_space<vmem>>
    %dma_wait3A_665 = arith.constant 224 : i32
    %dma_wait3A_666 = tpu.memref_slice %arg5[%dma_wait3A_665] : memref<256xi32, #tpu.memory_space<vmem>> -> memref<16xi32, #tpu.memory_space<vmem>>
    %dma_wait3A_667 = arith.constant 0 : i32
    %dma_wait3A_668 = arith.constant 0 : i32
    %dma_wait3A_669 = tpu.memref_slice %arg2[%dma_wait3A_667, %dma_wait3A_668] : memref<100000x1024xf32, #tpu.memory_space<hbm>> -> memref<100000x1024xf32, #tpu.memory_space<hbm>>
    tpu.wait_indirect_dma semaphore(%arg7 : memref<!tpu.dma_semaphore, #tpu.memory_space<semaphore_mem>>) src(%dma_wait3A_669 : memref<100000x1024xf32, #tpu.memory_space<hbm>>) dst(%dma_wait3A_664 : memref<16x1024xf32, #tpu.memory_space<vmem>>)
    %add3A_670 = arith.constant 224 : i32
    %add3A_671 = arith.addi %mul3A_2, %add3A_670 : i32
    %dma_start3A_672 = arith.constant 0 : i32
    %dma_start3A_673 = arith.constant 0 : i32
    %dma_start3A_674 = arith.constant 0 : i32
    %dma_start3A_675 = tpu.memref_slice %arg6[%dma_start3A_672, %dma_start3A_673, %dma_start3A_674] : memref<7x16x1024xf32, #tpu.memory_space<vmem>> -> memref<1x16x1024xf32, #tpu.memory_space<vmem>>
    %dma_start3A_676 = tpu.memref_squeeze %dma_start3A_675 : memref<1x16x1024xf32, #tpu.memory_space<vmem>> -> memref<16x1024xf32, #tpu.memory_space<vmem>>
    %dma_start3A_677 = arith.constant 0 : i32
    %dma_start3A_678 = tpu.memref_slice %arg4[%add3A_671, %dma_start3A_677] : memref<8192x1024xf32, #tpu.memory_space<hbm>> -> memref<16x1024xf32, #tpu.memory_space<hbm>>
    %dma_start3A_679 = arith.constant 0 : i32
    %dma_start3A_680 = tpu.memref_slice %arg4[%add3A_671, %dma_start3A_679] : memref<8192x1024xf32, #tpu.memory_space<hbm>> -> memref<16x1024xf32, #tpu.memory_space<hbm>>
    %dma_start3A_681 = arith.constant 0 : i32
    %dma_start3A_682 = arith.constant 0 : i32
    %dma_start3A_683 = tpu.memref_slice %arg6[%dma_start3A_672, %dma_start3A_681, %dma_start3A_682] : memref<7x16x1024xf32, #tpu.memory_space<vmem>> -> memref<1x16x1024xf32, #tpu.memory_space<vmem>>
    %dma_start3A_684 = tpu.memref_squeeze %dma_start3A_683 : memref<1x16x1024xf32, #tpu.memory_space<vmem>> -> memref<16x1024xf32, #tpu.memory_space<vmem>>
    tpu.enqueue_dma source(%dma_start3A_684 : memref<16x1024xf32, #tpu.memory_space<vmem>>) target(%dma_start3A_680 : memref<16x1024xf32, #tpu.memory_space<hbm>>) target_semaphore(%arg14 : memref<!tpu.dma_semaphore, #tpu.memory_space<semaphore_mem>>)
    %dma_wait3A_685 = arith.constant 1 : i32
    %dma_wait3A_686 = arith.constant 0 : i32
    %dma_wait3A_687 = arith.constant 0 : i32
    %dma_wait3A_688 = tpu.memref_slice %arg6[%dma_wait3A_685, %dma_wait3A_686, %dma_wait3A_687] : memref<7x16x1024xf32, #tpu.memory_space<vmem>> -> memref<1x16x1024xf32, #tpu.memory_space<vmem>>
    %dma_wait3A_689 = tpu.memref_squeeze %dma_wait3A_688 : memref<1x16x1024xf32, #tpu.memory_space<vmem>> -> memref<16x1024xf32, #tpu.memory_space<vmem>>
    %dma_wait3A_690 = arith.constant 240 : i32
    %dma_wait3A_691 = tpu.memref_slice %arg5[%dma_wait3A_690] : memref<256xi32, #tpu.memory_space<vmem>> -> memref<16xi32, #tpu.memory_space<vmem>>
    %dma_wait3A_692 = arith.constant 0 : i32
    %dma_wait3A_693 = arith.constant 0 : i32
    %dma_wait3A_694 = tpu.memref_slice %arg2[%dma_wait3A_692, %dma_wait3A_693] : memref<100000x1024xf32, #tpu.memory_space<hbm>> -> memref<100000x1024xf32, #tpu.memory_space<hbm>>
    tpu.wait_indirect_dma semaphore(%arg8 : memref<!tpu.dma_semaphore, #tpu.memory_space<semaphore_mem>>) src(%dma_wait3A_694 : memref<100000x1024xf32, #tpu.memory_space<hbm>>) dst(%dma_wait3A_689 : memref<16x1024xf32, #tpu.memory_space<vmem>>)
    %add3A_695 = arith.constant 240 : i32
    %add3A_696 = arith.addi %mul3A_2, %add3A_695 : i32
    %dma_start3A_697 = arith.constant 1 : i32
    %dma_start3A_698 = arith.constant 0 : i32
    %dma_start3A_699 = arith.constant 0 : i32
    %dma_start3A_700 = tpu.memref_slice %arg6[%dma_start3A_697, %dma_start3A_698, %dma_start3A_699] : memref<7x16x1024xf32, #tpu.memory_space<vmem>> -> memref<1x16x1024xf32, #tpu.memory_space<vmem>>
    %dma_start3A_701 = tpu.memref_squeeze %dma_start3A_700 : memref<1x16x1024xf32, #tpu.memory_space<vmem>> -> memref<16x1024xf32, #tpu.memory_space<vmem>>
    %dma_start3A_702 = arith.constant 0 : i32
    %dma_start3A_703 = tpu.memref_slice %arg4[%add3A_696, %dma_start3A_702] : memref<8192x1024xf32, #tpu.memory_space<hbm>> -> memref<16x1024xf32, #tpu.memory_space<hbm>>
    %dma_start3A_704 = arith.constant 0 : i32
    %dma_start3A_705 = tpu.memref_slice %arg4[%add3A_696, %dma_start3A_704] : memref<8192x1024xf32, #tpu.memory_space<hbm>> -> memref<16x1024xf32, #tpu.memory_space<hbm>>
    %dma_start3A_706 = arith.constant 0 : i32
    %dma_start3A_707 = arith.constant 0 : i32
    %dma_start3A_708 = tpu.memref_slice %arg6[%dma_start3A_697, %dma_start3A_706, %dma_start3A_707] : memref<7x16x1024xf32, #tpu.memory_space<vmem>> -> memref<1x16x1024xf32, #tpu.memory_space<vmem>>
    %dma_start3A_709 = tpu.memref_squeeze %dma_start3A_708 : memref<1x16x1024xf32, #tpu.memory_space<vmem>> -> memref<16x1024xf32, #tpu.memory_space<vmem>>
    tpu.enqueue_dma source(%dma_start3A_709 : memref<16x1024xf32, #tpu.memory_space<vmem>>) target(%dma_start3A_705 : memref<16x1024xf32, #tpu.memory_space<hbm>>) target_semaphore(%arg15 : memref<!tpu.dma_semaphore, #tpu.memory_space<semaphore_mem>>)
    %dma_wait3A_710 = arith.constant 2 : i32
    %dma_wait3A_711 = arith.constant 0 : i32
    %dma_wait3A_712 = arith.constant 0 : i32
    %dma_wait3A_713 = tpu.memref_slice %arg6[%dma_wait3A_710, %dma_wait3A_711, %dma_wait3A_712] : memref<7x16x1024xf32, #tpu.memory_space<vmem>> -> memref<1x16x1024xf32, #tpu.memory_space<vmem>>
    %dma_wait3A_714 = tpu.memref_squeeze %dma_wait3A_713 : memref<1x16x1024xf32, #tpu.memory_space<vmem>> -> memref<16x1024xf32, #tpu.memory_space<vmem>>
    %dma_wait3A_715 = arith.constant 0 : i32
    %dma_wait3A_716 = tpu.memref_slice %arg4[%add3A_546, %dma_wait3A_715] : memref<8192x1024xf32, #tpu.memory_space<hbm>> -> memref<16x1024xf32, #tpu.memory_space<hbm>>
    %dma_wait3A_717 = arith.constant 0 : i32
    %dma_wait3A_718 = tpu.memref_slice %arg4[%add3A_546, %dma_wait3A_717] : memref<8192x1024xf32, #tpu.memory_space<hbm>> -> memref<16x1024xf32, #tpu.memory_space<hbm>>
    %dma_wait3A_719 = arith.constant 0 : i32
    %dma_wait3A_720 = arith.constant 0 : i32
    %dma_wait3A_721 = tpu.memref_slice %arg6[%dma_wait3A_710, %dma_wait3A_719, %dma_wait3A_720] : memref<7x16x1024xf32, #tpu.memory_space<vmem>> -> memref<1x16x1024xf32, #tpu.memory_space<vmem>>
    %dma_wait3A_722 = tpu.memref_squeeze %dma_wait3A_721 : memref<1x16x1024xf32, #tpu.memory_space<vmem>> -> memref<16x1024xf32, #tpu.memory_space<vmem>>
    tpu.wait_dma2 semaphore(%arg16 : memref<!tpu.dma_semaphore, #tpu.memory_space<semaphore_mem>>) src(%dma_wait3A_722 : memref<16x1024xf32, #tpu.memory_space<vmem>>) dst(%dma_wait3A_718 : memref<16x1024xf32, #tpu.memory_space<hbm>>)
    %dma_wait3A_723 = arith.constant 3 : i32
    %dma_wait3A_724 = arith.constant 0 : i32
    %dma_wait3A_725 = arith.constant 0 : i32
    %dma_wait3A_726 = tpu.memref_slice %arg6[%dma_wait3A_723, %dma_wait3A_724, %dma_wait3A_725] : memref<7x16x1024xf32, #tpu.memory_space<vmem>> -> memref<1x16x1024xf32, #tpu.memory_space<vmem>>
    %dma_wait3A_727 = tpu.memref_squeeze %dma_wait3A_726 : memref<1x16x1024xf32, #tpu.memory_space<vmem>> -> memref<16x1024xf32, #tpu.memory_space<vmem>>
    %dma_wait3A_728 = arith.constant 0 : i32
    %dma_wait3A_729 = tpu.memref_slice %arg4[%add3A_571, %dma_wait3A_728] : memref<8192x1024xf32, #tpu.memory_space<hbm>> -> memref<16x1024xf32, #tpu.memory_space<hbm>>
    %dma_wait3A_730 = arith.constant 0 : i32
    %dma_wait3A_731 = tpu.memref_slice %arg4[%add3A_571, %dma_wait3A_730] : memref<8192x1024xf32, #tpu.memory_space<hbm>> -> memref<16x1024xf32, #tpu.memory_space<hbm>>
    %dma_wait3A_732 = arith.constant 0 : i32
    %dma_wait3A_733 = arith.constant 0 : i32
    %dma_wait3A_734 = tpu.memref_slice %arg6[%dma_wait3A_723, %dma_wait3A_732, %dma_wait3A_733] : memref<7x16x1024xf32, #tpu.memory_space<vmem>> -> memref<1x16x1024xf32, #tpu.memory_space<vmem>>
    %dma_wait3A_735 = tpu.memref_squeeze %dma_wait3A_734 : memref<1x16x1024xf32, #tpu.memory_space<vmem>> -> memref<16x1024xf32, #tpu.memory_space<vmem>>
    tpu.wait_dma2 semaphore(%arg17 : memref<!tpu.dma_semaphore, #tpu.memory_space<semaphore_mem>>) src(%dma_wait3A_735 : memref<16x1024xf32, #tpu.memory_space<vmem>>) dst(%dma_wait3A_731 : memref<16x1024xf32, #tpu.memory_space<hbm>>)
    %dma_wait3A_736 = arith.constant 4 : i32
    %dma_wait3A_737 = arith.constant 0 : i32
    %dma_wait3A_738 = arith.constant 0 : i32
    %dma_wait3A_739 = tpu.memref_slice %arg6[%dma_wait3A_736, %dma_wait3A_737, %dma_wait3A_738] : memref<7x16x1024xf32, #tpu.memory_space<vmem>> -> memref<1x16x1024xf32, #tpu.memory_space<vmem>>
    %dma_wait3A_740 = tpu.memref_squeeze %dma_wait3A_739 : memref<1x16x1024xf32, #tpu.memory_space<vmem>> -> memref<16x1024xf32, #tpu.memory_space<vmem>>
    %dma_wait3A_741 = arith.constant 0 : i32
    %dma_wait3A_742 = tpu.memref_slice %arg4[%add3A_596, %dma_wait3A_741] : memref<8192x1024xf32, #tpu.memory_space<hbm>> -> memref<16x1024xf32, #tpu.memory_space<hbm>>
    %dma_wait3A_743 = arith.constant 0 : i32
    %dma_wait3A_744 = tpu.memref_slice %arg4[%add3A_596, %dma_wait3A_743] : memref<8192x1024xf32, #tpu.memory_space<hbm>> -> memref<16x1024xf32, #tpu.memory_space<hbm>>
    %dma_wait3A_745 = arith.constant 0 : i32
    %dma_wait3A_746 = arith.constant 0 : i32
    %dma_wait3A_747 = tpu.memref_slice %arg6[%dma_wait3A_736, %dma_wait3A_745, %dma_wait3A_746] : memref<7x16x1024xf32, #tpu.memory_space<vmem>> -> memref<1x16x1024xf32, #tpu.memory_space<vmem>>
    %dma_wait3A_748 = tpu.memref_squeeze %dma_wait3A_747 : memref<1x16x1024xf32, #tpu.memory_space<vmem>> -> memref<16x1024xf32, #tpu.memory_space<vmem>>
    tpu.wait_dma2 semaphore(%arg18 : memref<!tpu.dma_semaphore, #tpu.memory_space<semaphore_mem>>) src(%dma_wait3A_748 : memref<16x1024xf32, #tpu.memory_space<vmem>>) dst(%dma_wait3A_744 : memref<16x1024xf32, #tpu.memory_space<hbm>>)
    %dma_wait3A_749 = arith.constant 5 : i32
    %dma_wait3A_750 = arith.constant 0 : i32
    %dma_wait3A_751 = arith.constant 0 : i32
    %dma_wait3A_752 = tpu.memref_slice %arg6[%dma_wait3A_749, %dma_wait3A_750, %dma_wait3A_751] : memref<7x16x1024xf32, #tpu.memory_space<vmem>> -> memref<1x16x1024xf32, #tpu.memory_space<vmem>>
    %dma_wait3A_753 = tpu.memref_squeeze %dma_wait3A_752 : memref<1x16x1024xf32, #tpu.memory_space<vmem>> -> memref<16x1024xf32, #tpu.memory_space<vmem>>
    %dma_wait3A_754 = arith.constant 0 : i32
    %dma_wait3A_755 = tpu.memref_slice %arg4[%add3A_621, %dma_wait3A_754] : memref<8192x1024xf32, #tpu.memory_space<hbm>> -> memref<16x1024xf32, #tpu.memory_space<hbm>>
    %dma_wait3A_756 = arith.constant 0 : i32
    %dma_wait3A_757 = tpu.memref_slice %arg4[%add3A_621, %dma_wait3A_756] : memref<8192x1024xf32, #tpu.memory_space<hbm>> -> memref<16x1024xf32, #tpu.memory_space<hbm>>
    %dma_wait3A_758 = arith.constant 0 : i32
    %dma_wait3A_759 = arith.constant 0 : i32
    %dma_wait3A_760 = tpu.memref_slice %arg6[%dma_wait3A_749, %dma_wait3A_758, %dma_wait3A_759] : memref<7x16x1024xf32, #tpu.memory_space<vmem>> -> memref<1x16x1024xf32, #tpu.memory_space<vmem>>
    %dma_wait3A_761 = tpu.memref_squeeze %dma_wait3A_760 : memref<1x16x1024xf32, #tpu.memory_space<vmem>> -> memref<16x1024xf32, #tpu.memory_space<vmem>>
    tpu.wait_dma2 semaphore(%arg19 : memref<!tpu.dma_semaphore, #tpu.memory_space<semaphore_mem>>) src(%dma_wait3A_761 : memref<16x1024xf32, #tpu.memory_space<vmem>>) dst(%dma_wait3A_757 : memref<16x1024xf32, #tpu.memory_space<hbm>>)
    %dma_wait3A_762 = arith.constant 6 : i32
    %dma_wait3A_763 = arith.constant 0 : i32
    %dma_wait3A_764 = arith.constant 0 : i32
    %dma_wait3A_765 = tpu.memref_slice %arg6[%dma_wait3A_762, %dma_wait3A_763, %dma_wait3A_764] : memref<7x16x1024xf32, #tpu.memory_space<vmem>> -> memref<1x16x1024xf32, #tpu.memory_space<vmem>>
    %dma_wait3A_766 = tpu.memref_squeeze %dma_wait3A_765 : memref<1x16x1024xf32, #tpu.memory_space<vmem>> -> memref<16x1024xf32, #tpu.memory_space<vmem>>
    %dma_wait3A_767 = arith.constant 0 : i32
    %dma_wait3A_768 = tpu.memref_slice %arg4[%add3A_646, %dma_wait3A_767] : memref<8192x1024xf32, #tpu.memory_space<hbm>> -> memref<16x1024xf32, #tpu.memory_space<hbm>>
    %dma_wait3A_769 = arith.constant 0 : i32
    %dma_wait3A_770 = tpu.memref_slice %arg4[%add3A_646, %dma_wait3A_769] : memref<8192x1024xf32, #tpu.memory_space<hbm>> -> memref<16x1024xf32, #tpu.memory_space<hbm>>
    %dma_wait3A_771 = arith.constant 0 : i32
    %dma_wait3A_772 = arith.constant 0 : i32
    %dma_wait3A_773 = tpu.memref_slice %arg6[%dma_wait3A_762, %dma_wait3A_771, %dma_wait3A_772] : memref<7x16x1024xf32, #tpu.memory_space<vmem>> -> memref<1x16x1024xf32, #tpu.memory_space<vmem>>
    %dma_wait3A_774 = tpu.memref_squeeze %dma_wait3A_773 : memref<1x16x1024xf32, #tpu.memory_space<vmem>> -> memref<16x1024xf32, #tpu.memory_space<vmem>>
    tpu.wait_dma2 semaphore(%arg20 : memref<!tpu.dma_semaphore, #tpu.memory_space<semaphore_mem>>) src(%dma_wait3A_774 : memref<16x1024xf32, #tpu.memory_space<vmem>>) dst(%dma_wait3A_770 : memref<16x1024xf32, #tpu.memory_space<hbm>>)
    %dma_wait3A_775 = arith.constant 0 : i32
    %dma_wait3A_776 = arith.constant 0 : i32
    %dma_wait3A_777 = arith.constant 0 : i32
    %dma_wait3A_778 = tpu.memref_slice %arg6[%dma_wait3A_775, %dma_wait3A_776, %dma_wait3A_777] : memref<7x16x1024xf32, #tpu.memory_space<vmem>> -> memref<1x16x1024xf32, #tpu.memory_space<vmem>>
    %dma_wait3A_779 = tpu.memref_squeeze %dma_wait3A_778 : memref<1x16x1024xf32, #tpu.memory_space<vmem>> -> memref<16x1024xf32, #tpu.memory_space<vmem>>
    %dma_wait3A_780 = arith.constant 0 : i32
    %dma_wait3A_781 = tpu.memref_slice %arg4[%add3A_671, %dma_wait3A_780] : memref<8192x1024xf32, #tpu.memory_space<hbm>> -> memref<16x1024xf32, #tpu.memory_space<hbm>>
    %dma_wait3A_782 = arith.constant 0 : i32
    %dma_wait3A_783 = tpu.memref_slice %arg4[%add3A_671, %dma_wait3A_782] : memref<8192x1024xf32, #tpu.memory_space<hbm>> -> memref<16x1024xf32, #tpu.memory_space<hbm>>
    %dma_wait3A_784 = arith.constant 0 : i32
    %dma_wait3A_785 = arith.constant 0 : i32
    %dma_wait3A_786 = tpu.memref_slice %arg6[%dma_wait3A_775, %dma_wait3A_784, %dma_wait3A_785] : memref<7x16x1024xf32, #tpu.memory_space<vmem>> -> memref<1x16x1024xf32, #tpu.memory_space<vmem>>
    %dma_wait3A_787 = tpu.memref_squeeze %dma_wait3A_786 : memref<1x16x1024xf32, #tpu.memory_space<vmem>> -> memref<16x1024xf32, #tpu.memory_space<vmem>>
    tpu.wait_dma2 semaphore(%arg14 : memref<!tpu.dma_semaphore, #tpu.memory_space<semaphore_mem>>) src(%dma_wait3A_787 : memref<16x1024xf32, #tpu.memory_space<vmem>>) dst(%dma_wait3A_783 : memref<16x1024xf32, #tpu.memory_space<hbm>>)
    %dma_wait3A_788 = arith.constant 1 : i32
    %dma_wait3A_789 = arith.constant 0 : i32
    %dma_wait3A_790 = arith.constant 0 : i32
    %dma_wait3A_791 = tpu.memref_slice %arg6[%dma_wait3A_788, %dma_wait3A_789, %dma_wait3A_790] : memref<7x16x1024xf32, #tpu.memory_space<vmem>> -> memref<1x16x1024xf32, #tpu.memory_space<vmem>>
    %dma_wait3A_792 = tpu.memref_squeeze %dma_wait3A_791 : memref<1x16x1024xf32, #tpu.memory_space<vmem>> -> memref<16x1024xf32, #tpu.memory_space<vmem>>
    %dma_wait3A_793 = arith.constant 0 : i32
    %dma_wait3A_794 = tpu.memref_slice %arg4[%add3A_696, %dma_wait3A_793] : memref<8192x1024xf32, #tpu.memory_space<hbm>> -> memref<16x1024xf32, #tpu.memory_space<hbm>>
    %dma_wait3A_795 = arith.constant 0 : i32
    %dma_wait3A_796 = tpu.memref_slice %arg4[%add3A_696, %dma_wait3A_795] : memref<8192x1024xf32, #tpu.memory_space<hbm>> -> memref<16x1024xf32, #tpu.memory_space<hbm>>
    %dma_wait3A_797 = arith.constant 0 : i32
    %dma_wait3A_798 = arith.constant 0 : i32
    %dma_wait3A_799 = tpu.memref_slice %arg6[%dma_wait3A_788, %dma_wait3A_797, %dma_wait3A_798] : memref<7x16x1024xf32, #tpu.memory_space<vmem>> -> memref<1x16x1024xf32, #tpu.memory_space<vmem>>
    %dma_wait3A_800 = tpu.memref_squeeze %dma_wait3A_799 : memref<1x16x1024xf32, #tpu.memory_space<vmem>> -> memref<16x1024xf32, #tpu.memory_space<vmem>>
    tpu.wait_dma2 semaphore(%arg15 : memref<!tpu.dma_semaphore, #tpu.memory_space<semaphore_mem>>) src(%dma_wait3A_800 : memref<16x1024xf32, #tpu.memory_space<vmem>>) dst(%dma_wait3A_796 : memref<16x1024xf32, #tpu.memory_space<hbm>>)
    return
  }
}

</mosaic_0001>

<sc_bundles>
// kernel: kernel.3.cloned.1.call-start
scs
__scs_entry_jumppad:
0x0: {  	(pc) =	sbr.rel $0x88, $3  }
0x1: {  	(tag) =	ssettag $0x0;
	lr =	simm.s32 $0x1  }
0x2: {  	[smem:$0x3F9F] =	sst lr;
	_ =	strace $0xD0000000  }
0x3: {  	_ = 	snop  }
0x4: {  	_ = 	snop  }
0x5: {  	_ = 	snop  }
0x6: {  	_ = 	snop  }
0x7: {  	_ = 	snop  }
__scs_overlays_trampoline_lowered:
0x8: {  	[smem:$0x3FAE] =	sst s0  }
0x9: {  	[smem:$0x3FAF] =	sst s1  }
0xa: {  	[smem:$0x3FB0] =	sst s2  }
0xb: {  	[smem:$0x3FB1] =	sst s3  }
0xc: {  	[smem:$0x3FB2] =	sst s4  }
0xd: {  	[smem:$0x3FB3] =	sst s5  }
0xe: {  	[smem:$0x3FB4] =	sst s6  }
0xf: {  	[smem:$0x3FB5] =	sst s7  }
0x10: {  	[smem:$0x3FB6] =	sst s8  }
0x11: {  	[smem:$0x3FB7] =	sst s9;
	s0 =	simm.s32 @!p0 $0x0  }
0x12: {  	s1 =	sld [smem:$0x3F9D];
	s0 =	simm.s32 @p0 $0x1  }
0x13: {  	[smem:$0x3FB8] =	sst s0;
	s0 =	simm.s32 @!p1 $0x0  }
0x14: {  	s2 =	sld [smem:$0x3F9C];
	s0 =	simm.s32 @p1 $0x1  }
0x15: {  	[smem:$0x3FB9] =	sst s0;
	s0 =	simm.s32 @!p2 $0x0  }
0x16: {  	s3 =	sld [smem:$0x3FDB];
	s0 =	simm.s32 @p2 $0x1  }
0x17: {  	s4 =	simm.s32 $0x1BF5;
	[smem:$0x3FBB] =	sst s0  }
0x18: {  	s0 =	sld [smem:$0x3F9E];
	_ =	swait.ge [sflag:s4], $0x0  }
0x19: {  	s7 =	sld [smem:$0x3F9F]  }
0x1a: {  	s8 =	sadd.s32 $0xFFFFE003, lr  }
0x1b: {  	s9 =	sadd.s32 $0xFFFFFEF7, lr;
	s5 =	simm.s32 $0xFFFFFFFF;
	p2 =	slt.u32 s8, $0xFFFFF086  }
0x1c: {  	p1 =	slt.u32 s9, $0xF7A;
	s5 =	simm.s32 @!p2 $0x0  }
0x1d: {  	s5 =	simm.s32 @p1 $0x1;
	p0 =	seq.s32 s7, s2  }
0x1e: {  	s7 =	smul.u32 @!p0 $0xF7A, s2;
	p2 =	seq.s32 @!p0 s5, $0x0  }
0x1f: {  	s9 =	smul.u32 $0xF7A, s1;
	s8 =	simm.s32 @!p0 $0x1BF5;
	p2 =	por !p2, p0  }
0x20: {  	[sflag:s8] =	ssyncset.s32 @!p0 $0xFFFFF086;
	s6 =	sadd.s32 @!p0 s3, s7;
	s7 =	simm.s32 @!p0 $0x108  }
0x21: {  	s3 =	sadd.s32 s3, s9;
	s6 =	sadd.s32 @!p0 $0x88, s6;
	s7 =	simm.s32 @p2 $0x1082  }
0x22: {  	[simem:s7], [sflag:s8] =	dma.local @!p0 [hbm:s6], $0xF7A  }
0x23: {  	s9 =	sor.u32 $0xD0000000, s2;
	s6 =	simm.s32 $0x108;
	_ =	swait.ge @!p0 [sflag:s8], $0x0  }
0x24: {  	s3 =	sadd.s32 $0x88, s3;
	s6 =	simm.s32 @!p1 $0x1082;
	[sflag:s4] =	ssyncset.s32 $0xFFFFF086  }
0x25: {  	[simem:s6], [sflag:s4] =	dma.local [hbm:s3], $0xF7A  }
0x26: {  	[smem:$0x3F9F] =	sst s1;
	(tag) =	ssettag s2;
	_ =	strace s9  }
0x27: {  	s1 =	sld [smem:$0x3FAF]  }
0x28: {  	s2 =	sld [smem:$0x3FB0]  }
0x29: {  	s4 =	sld [smem:$0x3FB2]  }
0x2a: {  	p0 =	seq.s32 s5, $0x0;
	s5 =	sld [smem:$0x3FB3]  }
0x2b: {  	s6 =	sld [smem:$0x3FB4]  }
0x2c: {  	s7 =	sld [smem:$0x3FB5]  }
0x2d: {  	s3 =	simm.s32 $0x108;
	s8 =	sld [smem:$0x3FB6]  }
0x2e: {  	s3 =	simm.s32 @!p0 $0x1082;
	s9 =	sld [smem:$0x3FB7]  }
0x2f: {  	lr =	sadd.s32 s0, s3;
	s0 =	sld [smem:$0x3FAE]  }
0x30: {  	s3 =	sld [smem:$0x3FB1]  }
0x31: {  	[smem:$0x3FBA] =	sst s10  }
0x32: {  	s10 =	sld [smem:$0x3FB8];
	_ =	sdelay $0x3  }
0x33: {  	p0 =	seq.s32 s10, $0x1;
	s10 =	sld [smem:$0x3FBA];
	_ =	sdelay $0x3  }
0x34: {  	[smem:$0x3FBA] =	sst s10  }
0x35: {  	s10 =	sld [smem:$0x3FB9];
	_ =	sdelay $0x3  }
0x36: {  	p1 =	seq.s32 s10, $0x1;
	s10 =	sld [smem:$0x3FBA];
	_ =	sdelay $0x3  }
0x37: {  	[smem:$0x3FBA] =	sst s10  }
0x38: {  	s10 =	sld [smem:$0x3FBB]  }
0x39: {  	_ = 	snop;
	(pc) =	sbr.ind lr, $3  }
0x3a: {  	_ = 	snop  }
0x3b: {  	_ = 	snop  }
0x3c: {  	p2 =	seq.s32 s10, $0x1;
	s10 =	sld [smem:$0x3FBA]  }
0x3d: {  	_ =	shalt  }
0x3e: {  	_ =	shalt  }
0x3f: {  	_ =	shalt  }
0x40: {  	_ =	shalt  }
0x41: {  	_ =	shalt  }
0x42: {  	_ =	shalt  }
0x43: {  	_ =	shalt  }
0x44: {  	_ =	shalt  }
0x45: {  	_ =	shalt  }
0x46: {  	_ =	shalt  }
0x47: {  	_ =	shalt  }
0x48: {  	_ =	shalt  }
0x49: {  	_ =	shalt  }
0x4a: {  	_ =	shalt  }
0x4b: {  	_ =	shalt  }
0x4c: {  	_ =	shalt  }
0x4d: {  	_ =	shalt  }
0x4e: {  	_ =	shalt  }
0x4f: {  	_ =	shalt  }
0x50: {  	_ =	shalt  }
0x51: {  	_ =	shalt  }
0x52: {  	_ =	shalt  }
0x53: {  	_ =	shalt  }
0x54: {  	_ =	shalt  }
0x55: {  	_ =	shalt  }
0x56: {  	_ =	shalt  }
0x57: {  	_ =	shalt  }
0x58: {  	_ =	shalt  }
0x59: {  	_ =	shalt  }
0x5a: {  	_ =	shalt  }
0x5b: {  	_ =	shalt  }
0x5c: {  	_ =	shalt  }
0x5d: {  	_ =	shalt  }
0x5e: {  	_ =	shalt  }
0x5f: {  	_ =	shalt  }
0x60: {  	_ =	shalt  }
0x61: {  	_ =	shalt  }
0x62: {  	_ =	shalt  }
0x63: {  	_ =	shalt  }
0x64: {  	_ =	shalt  }
0x65: {  	_ =	shalt  }
0x66: {  	_ =	shalt  }
0x67: {  	_ =	shalt  }
0x68: {  	_ =	shalt  }
0x69: {  	_ =	shalt  }
0x6a: {  	_ =	shalt  }
0x6b: {  	_ =	shalt  }
0x6c: {  	_ =	shalt  }
0x6d: {  	_ =	shalt  }
0x6e: {  	_ =	shalt  }
0x6f: {  	_ =	shalt  }
0x70: {  	_ =	shalt  }
0x71: {  	_ =	shalt  }
0x72: {  	_ =	shalt  }
0x73: {  	_ =	shalt  }
0x74: {  	_ =	shalt  }
0x75: {  	_ =	shalt  }
0x76: {  	_ =	shalt  }
0x77: {  	_ =	shalt  }
0x78: {  	_ =	shalt  }
0x79: {  	_ =	shalt  }
0x7a: {  	_ =	shalt  }
0x7b: {  	_ =	shalt  }
0x7c: {  	_ =	shalt  }
0x7d: {  	_ =	shalt  }
0x7e: {  	_ =	shalt  }
0x7f: {  	_ =	shalt  }
0x80: {  	_ =	shalt  }
0x81: {  	_ =	shalt  }
0x82: {  	_ =	shalt  }
0x83: {  	_ =	shalt  }
0x84: {  	_ =	shalt  }
0x85: {  	_ =	shalt  }
0x86: {  	_ =	shalt  }
0x87: {  	_ =	shalt  }
.Lfunc_end0:
.L_simem_size_0:
called_computation_lowered:
.L_overlay_start_0:
0x88: {  	s2 =	sld [smem:$0x3FD9]  }
0x89: {  	s3 =	sld [smem:$0x3FFE];
	_ =	sdelay $0x1  }
0x8a: {  	s1 =	srdreg.scid  }
0x8b: {  	s0 =	sand.u32 $0x1, s1  }
0x8c: {  	s18 =	sshll.u32 s0, $0xA;
	s2 =	sadd.s32 s3, s2  }
0x8d: {  	s2 =	sadd.s32 s2, s18  }
0x8e: {  	[smem:$0x3FC6] =	sst s2  }
0x8f: {  	_ = 	snop  }
0x90: {  	s2 =	sld [smem:$0x3FC9]  }
0x91: {  	s19 =	sld [smem:$0x3FC8]  }
0x92: {  	s4 =	sld [smem:$0x3FD0];
	(tm) =	ssettm $0x1  }
0x93: {  	s5 =	sld [smem:$0x3FFB];
	_ =	sdelay $0x3  }
0x94: {  	_ =	strace s5  }
0x95: {  	s5 =	sld [smem:$0x3FFC];
	_ =	sdelay $0x3  }
0x96: {  	_ =	strace s5  }
0x97: {  	s5 =	sld [smem:$0x3FFD];
	_ =	sdelay $0x3  }
0x98: {  	_ =	strace s5  }
0x99: {  	_ =	strace $0x8FFFFFFF  }
0x9a: {  	s20 =	sld [smem:$0x3FDB];
	_ =	sdelay $0x1  }
0x9b: {  	s6 =	simm.s32 $_scs_section_size  }
0x9c: {  	s7 =	simm.s32 $_size__tile_overlayer_lowered;
	s8 =	simm.s32 $_tile_overlayer_lowered  }
0x9d: {  	s23 =	simm.s32 $0x1BFF;
	s22 =	sshll.u32 s8, $0x1;
	s5 =	sadd.s32 s6, s20  }
0x9e: {  	s9 =	simm.s32 $0x0;
	s21 =	sshll.u32 s7, $0x1;
	s7 =	sadd.s32 s22, s5  }
0x9f: {  	[timem:s9], [sflag:s23] =	dma.local [hbm:s7], s21  }
0xa0: {  	_ =	swait.ge [sflag:s23], s21  }
0xa1: {  	s6 =	ssub.s32 $0x0, s21;
	[sflag:s23] =	ssyncset.done $0x0  }
0xa2: {  	[sflag:s23] =	ssyncadd.s32 s6;
	_ =	sdelay $0x1  }
0xa3: {  	s24 =	simm.s32 $0x1B8B  }
0xa4: {  	_ =	swait.ge [sflag:s24], $0x1  }
0xa5: {  	[sflag:s24] =	ssyncset.done $0x0  }
0xa6: {  	s25 =	simm.s32 $0x1B8E;
	[sflag:s24] =	ssyncadd.s32 $0xFFFFFFFF  }
0xa7: {  	s26 =	simm.s32 $execute0_lowered;
	[smem:$0x3FD2] =	sst s25  }
0xa8: {  	s6 =	sshll.u32 s26, $0x1;
	_ =	strace $0x80000046;
	[dreg:$0x1] =	wrdreg $0xFFFFFFFF  }
0xa9: {  	s28 =	simm.s32 $_size_execute0_lowered;
	s5 =	sadd.s32 s5, s6;
	[dreg:$0x0] =	wrdreg $0x0  }
0xaa: {  	s6 =	sshll.u32 s28, $0x1;
	[dreg:$0x2] =	wrdreg s5  }
0xab: {  	[dreg:$0x3] =	wrdreg s6  }
0xac: {  	[dreg:$0x4] =	wrdreg $0xC0  }
0xad: {  	_ =	task [dreg:s9], $0x5FFFF  }
0xae: {  	[dreg:$0x1] =	wrdreg $0xFFFFFFFF  }
0xaf: {  	[dreg:$0x0] =	wrdreg $0x60  }
0xb0: {  	[dreg:$0x2] =	wrdreg s19  }
0xb1: {  	[dreg:$0x3] =	wrdreg s2  }
0xb2: {  	[dreg:$0x4] =	wrdreg s4  }
0xb3: {  	[dreg:$0x5] =	wrdreg $0x9  }
0xb4: {  	_ =	task.clear_ibuf [dreg:s9], $0x6FFFF;
	_ =	strace $0x90000046  }
0xb5: {  	s29 =	simm.s32 $0x9;
	_ =	strace $0x80000048  }
0xb6: {  	_ =	swait.ge [sflag:s29], $0x1  }
0xb7: {  	[sflag:s29] =	ssyncadd.s32 $0xFFFFFFFF  }
0xb8: {  	_ =	strace $0x90000048  }
0xb9: {  	_ =	sfence  }
0xba: {  	s30 =	sld [smem:$0x0];
	_ =	sdelay $0x2  }
0xbb: {  	s31 =	sshll.u32 s1, $0xD;
	s1 =	sshrl.u32 s1, $0x2  }
0xbc: {  	s3 =	sand.u32 $0x4000, s31;
	s1 =	sadd.s32 s1, s30  }
0xbd: {  	s0 =	sor.u32 s3, s0;
	s1 =	sshll.u32 s1, $0x11  }
0xbe: {  	s0 =	sor.u32 s1, s0  }
0xbf: {  	s0 =	sadd.s32 $0x8F2B, s0  }
0xc0: {  	[sflag:s0] =	ssyncadd.remote.s32 $0x1  }
0xc1: {  	_ =	sfence.sel $0xFFFF  }
0xc2: {  	[dreg:$0x0] =	wrdreg $0xFFFFFFFF;
	(pc) =	sbr.abs _section_cstart, $3  }
0xc3: {  	[dreg:$0x1] =	wrdreg $0xFFFFFFFF  }
0xc4: {  	_ =	task.clear_ibuf [dreg:s9], $0x2FFFF;
	_ =	strace $0x9FFFFFFF  }
0xc5: {  	(tm) =	ssettm $0x7FFFFFFF  }
tec
execute0_lowered:
.L_overlay_start_1:
0x0: {  	(tag) =	ssettag $0x1  }
0x1: {  	s2 =	rddreg [dreg:$0x0]  }
0x2: {  	s0 =	rddreg [dreg:$0x1]  }
0x3: {  	s1 =	rddreg [dreg:$0x2];
	s3 =	srdreg.scid  }
0x4: {  	s6 =	stileid.u32;
	s25 =	simm.s32 $0x80;
	s26 =	simm.s32 $0x200  }
0x5: {  	s4 =	sand.u32 $0x1, s3;
	s5 =	sshll.u32 s6, $0x1;
	s6 =	sshll.u32 s6, $0x2  }
0x6: {  	s3 =	simm.s32 $0x0;
	s5 =	sor.u32 s4, s5;
	s6 =	sand.u32 $0x30, s6  }
0x7: {  	[smem:$0x7FF] =	sst s3;
	s7 =	sshll.u32 s5, $0x7;
	s0 =	sadd.s32 s0, s6  }
0x8: {  	s5 =	sshll.u32 s5, $0xF;
	_ =	strace $0x80000047;
	[dreg:$0x14] =	wrdreg s25  }
0x9: {  	[dreg:$0x15] =	wrdreg s26;
	s7 =	sand.u32 $0x380, s7;
	s8 =	sadd.s32 s1, s5  }
0xa: {  	s0 =	sadd.s32 s7, s0;
	[dreg:$0x16] =	wrdreg s8  }
0xb: {  	s9 =	sadd.s32 $0x800, s8;
	[dreg:$0x4] =	wrdreg s0  }
0xc: {  	s10 =	sadd.s32 $0x1000, s8;
	[dreg:$0x5] =	wrdreg s9  }
0xd: {  	s11 =	sadd.s32 $0x1800, s8;
	[dreg:$0x6] =	wrdreg s10  }
0xe: {  	s30 =	simm.s32 $0x8;
	s12 =	sadd.s32 $0x2000, s8;
	[dreg:$0x7] =	wrdreg s11  }
0xf: {  	s28 =	simm.s32 $0x8900;
	s13 =	sadd.s32 $0x2800, s8;
	[dreg:$0x8] =	wrdreg s12  }
0x10: {  	s29 =	simm.s32 $0xA900;
	s14 =	sadd.s32 $0x3000, s8;
	[dreg:$0x9] =	wrdreg s13  }
0x11: {  	s31 =	simm.s32 $0xB100;
	s15 =	sadd.s32 $0x3800, s8;
	[dreg:$0xa] =	wrdreg s14  }
0x12: {  	s19 =	ssub.s32 $0x2, s4;
	s16 =	sadd.s32 $0x4000, s8;
	[dreg:$0xb] =	wrdreg s15  }
0x13: {  	s4 =	sshrl.u32 s19, $0x1;
	s17 =	sadd.s32 $0x4800, s8;
	[dreg:$0xc] =	wrdreg s16  }
0x14: {  	s6 =	sadd.s32 $0x200, s2;
	s18 =	sadd.s32 $0x5000, s8;
	[dreg:$0xd] =	wrdreg s17  }
0x15: {  	s26 =	simm.s32 $0xA100;
	s20 =	sadd.s32 $0x5800, s8;
	[dreg:$0xe] =	wrdreg s18  }
0x16: {  	s1 =	ssub.s32 s19, s4;
	s21 =	sadd.s32 $0x6000, s8;
	[dreg:$0xf] =	wrdreg s20  }
0x17: {  	s5 =	sadd.s32 $0x100, s2;
	s22 =	sadd.s32 $0x6800, s8;
	[dreg:$0x10] =	wrdreg s21  }
0x18: {  	s4 =	simm.s32 $0x2;
	s23 =	sadd.s32 $0x7000, s8;
	[dreg:$0x11] =	wrdreg s22  }
0x19: {  	v2 =	vlaneseq.u32;
	s24 =	sadd.s32 $0x7800, s8;
	s7 =	sadd.s32 $0x300, s2;
	[dreg:$0x12] =	wrdreg s23  }
0x1a: {  	vm0 =	vmmov $0xffff;
	v1 =	vshrl.u32 v2, $0x3;
	s8 =	smax.u32 s1, $0x1;
	[dreg:$0x13] =	wrdreg s24;
	s13 =	simm.s32 $0x1  }
0x1b: {  	v0 =	vand.u32 $0x7, v2;
	v2 =	vor.u32 $0x8, v2;
	v1 =	vmul.u32 $0x8, v1;
	s9 =	simm.s32 $0x9;
	s18 =	simm.s32 $0x100;
	s10 =	simm.s32 $0x4100  }
.LBB2_1:
0x1c: {  	s22 =	rddreg [dreg:$0x4]  }
0x1d: {  	s23 =	rddreg [dreg:$0x14]  }
0x1e: {  	s24 =	rddreg [dreg:$0x15];
	s17 =	simm.s32 $0xF  }
0x1f: {  	[tilespmem:s3], [sflag:$0xF] =	stream.strided.gather [hbm4b:s22+s23], $0x100, s24, s23, $0x38;
	[tilespmem:$0x1C100] =	vst v63  }
0x20: {  	_ =	swait.ge [sflag:s17], $0x100  }
0x21: {  	[sflag:s17] =	ssyncset.done $0x0  }
0x22: {  	[sflag:s17] =	ssyncadd.s32 $0xFFFFFF00  }
0x23: {  	v3 =	vld [tilespmem:$0x0];
	_ =	sdelay $0x4  }
0x24: {  	v4 =	vshll.u32 v3, $0x3  }
0x25: {  	v3 =	vand.u32 $0x7, v3;
	v4 =	vand.u32 $0xFFFFFFC0, v4  }
0x26: {  	v3 =	vor.u32 v3, v4  }
0x27: {  	v4 =	vperm.xlane v3, v0;
	_ =	sdelay $0x1  }
0x28: {  	v4 =	vadd.s32 v1, v4;
	_ =	sdelay $0x4  }
0x29: {  	[tilespmem:s18], [sflag:$0x1] =	stream.indirect_vreg.gather [hbm4b:s2+s3], $0x80, v4, vm0, $0xb8;
	[tilespmem:$0x1C100] =	vst v63  }
0x2a: {  	s0 =	simm.s32 $0x900;
	v3 =	vperm.xlane v3, v2  }
0x2b: {  	[tilespmem:s0], [sflag:$0x1] =	stream.indirect_vreg.gather [hbm4b:s5+s3], $0x80, v4, vm0, $0xb8;
	[tilespmem:$0x1C100] =	vst v63  }
0x2c: {  	s19 =	simm.s32 $0x1100;
	v3 =	vadd.s32 v1, v3  }
0x2d: {  	[tilespmem:s19], [sflag:$0x1] =	stream.indirect_vreg.gather [hbm4b:s6+s3], $0x80, v4, vm0, $0xb8;
	[tilespmem:$0x1C100] =	vst v63  }
0x2e: {  	s20 =	simm.s32 $0x1900  }
0x2f: {  	[tilespmem:s20], [sflag:$0x1] =	stream.indirect_vreg.gather [hbm4b:s7+s3], $0x80, v4, vm0, $0xb8;
	[tilespmem:$0x1C100] =	vst v63  }
0x30: {  	s21 =	simm.s32 $0x2100  }
0x31: {  	[tilespmem:s21], [sflag:$0x1] =	stream.indirect_vreg.gather [hbm4b:s2+s3], $0x80, v3, vm0, $0xb8;
	[tilespmem:$0x1C100] =	vst v63  }
0x32: {  	s22 =	simm.s32 $0x2900  }
0x33: {  	[tilespmem:s22], [sflag:$0x1] =	stream.indirect_vreg.gather [hbm4b:s5+s3], $0x80, v3, vm0, $0xb8;
	[tilespmem:$0x1C100] =	vst v63  }
0x34: {  	s23 =	simm.s32 $0x3100  }
0x35: {  	[tilespmem:s23], [sflag:$0x1] =	stream.indirect_vreg.gather [hbm4b:s6+s3], $0x80, v3, vm0, $0xb8;
	[tilespmem:$0x1C100] =	vst v63  }
0x36: {  	s24 =	simm.s32 $0x3900  }
0x37: {  	[tilespmem:s24], [sflag:$0x1] =	stream.indirect_vreg.gather [hbm4b:s7+s3], $0x80, v3, vm0, $0xb8;
	[tilespmem:$0x1C100] =	vst v63  }
0x38: {  	v3 =	vld [tilespmem:$0x10];
	_ =	sdelay $0x4  }
0x39: {  	v49 =	vshll.u32 v3, $0x3  }
0x3a: {  	v3 =	vand.u32 $0x7, v3;
	v4 =	vand.u32 $0xFFFFFFC0, v49  }
0x3b: {  	v3 =	vor.u32 v3, v4  }
0x3c: {  	v4 =	vperm.xlane v3, v0;
	_ =	sdelay $0x1  }
0x3d: {  	v4 =	vadd.s32 v1, v4;
	_ =	sdelay $0x4  }
0x3e: {  	[tilespmem:s10], [sflag:$0x2] =	stream.indirect_vreg.gather [hbm4b:s2+s3], $0x80, v4, vm0, $0xb8;
	[tilespmem:$0x1C100] =	vst v63  }
0x3f: {  	s25 =	simm.s32 $0x4900;
	v3 =	vperm.xlane v3, v2  }
0x40: {  	[tilespmem:s25], [sflag:$0x2] =	stream.indirect_vreg.gather [hbm4b:s5+s3], $0x80, v4, vm0, $0xb8;
	[tilespmem:$0x1C100] =	vst v63  }
0x41: {  	s11 =	simm.s32 $0x5100;
	v3 =	vadd.s32 v1, v3  }
0x42: {  	[tilespmem:s11], [sflag:$0x2] =	stream.indirect_vreg.gather [hbm4b:s6+s3], $0x80, v4, vm0, $0xb8;
	[tilespmem:$0x1C100] =	vst v63  }
0x43: {  	s12 =	simm.s32 $0x5900  }
0x44: {  	[tilespmem:s12], [sflag:$0x2] =	stream.indirect_vreg.gather [hbm4b:s7+s3], $0x80, v4, vm0, $0xb8;
	[tilespmem:$0x1C100] =	vst v63  }
0x45: {  	s15 =	simm.s32 $0x6100  }
0x46: {  	[tilespmem:s15], [sflag:$0x2] =	stream.indirect_vreg.gather [hbm4b:s2+s3], $0x80, v3, vm0, $0xb8;
	[tilespmem:$0x1C100] =	vst v63  }
0x47: {  	s16 =	simm.s32 $0x6900  }
0x48: {  	[tilespmem:s16], [sflag:$0x2] =	stream.indirect_vreg.gather [hbm4b:s5+s3], $0x80, v3, vm0, $0xb8;
	[tilespmem:$0x1C100] =	vst v63  }
0x49: {  	s17 =	simm.s32 $0x7100  }
0x4a: {  	[tilespmem:s17], [sflag:$0x2] =	stream.indirect_vreg.gather [hbm4b:s6+s3], $0x80, v3, vm0, $0xb8;
	[tilespmem:$0x1C100] =	vst v63  }
0x4b: {  	s19 =	simm.s32 $0x7900  }
0x4c: {  	[tilespmem:s19], [sflag:$0x2] =	stream.indirect_vreg.gather [hbm4b:s7+s3], $0x80, v3, vm0, $0xb8;
	[tilespmem:$0x1C100] =	vst v63  }
0x4d: {  	v3 =	vld [tilespmem:$0x20];
	_ =	sdelay $0x4  }
0x4e: {  	v50 =	vshll.u32 v3, $0x3  }
0x4f: {  	v3 =	vand.u32 $0x7, v3;
	v4 =	vand.u32 $0xFFFFFFC0, v50  }
0x50: {  	v3 =	vor.u32 v3, v4  }
0x51: {  	v4 =	vperm.xlane v3, v0;
	_ =	sdelay $0x1  }
0x52: {  	v4 =	vadd.s32 v1, v4;
	_ =	sdelay $0x3  }
0x53: {  	s20 =	simm.s32 $0x8100  }
0x54: {  	[tilespmem:s20], [sflag:$0x3] =	stream.indirect_vreg.gather [hbm4b:s2+s3], $0x80, v4, vm0, $0xb8;
	[tilespmem:$0x1C100] =	vst v63  }
0x55: {  	v3 =	vperm.xlane v3, v2  }
0x56: {  	[tilespmem:s28], [sflag:$0x3] =	stream.indirect_vreg.gather [hbm4b:s5+s3], $0x80, v4, vm0, $0xb8;
	[tilespmem:$0x1C100] =	vst v63  }
0x57: {  	s11 =	simm.s32 $0x9100;
	v3 =	vadd.s32 v1, v3  }
0x58: {  	[tilespmem:s11], [sflag:$0x3] =	stream.indirect_vreg.gather [hbm4b:s6+s3], $0x80, v4, vm0, $0xb8;
	[tilespmem:$0x1C100] =	vst v63  }
0x59: {  	s25 =	simm.s32 $0x9900  }
0x5a: {  	[tilespmem:s25], [sflag:$0x3] =	stream.indirect_vreg.gather [hbm4b:s7+s3], $0x80, v4, vm0, $0xb8;
	[tilespmem:$0x1C100] =	vst v63  }
0x5b: {  	_ = 	snop  }
0x5c: {  	[tilespmem:s26], [sflag:$0x3] =	stream.indirect_vreg.gather [hbm4b:s2+s3], $0x80, v3, vm0, $0xb8;
	[tilespmem:$0x1C100] =	vst v63  }
0x5d: {  	_ = 	snop  }
0x5e: {  	[tilespmem:s29], [sflag:$0x3] =	stream.indirect_vreg.gather [hbm4b:s5+s3], $0x80, v3, vm0, $0xb8;
	[tilespmem:$0x1C100] =	vst v63  }
0x5f: {  	_ = 	snop  }
0x60: {  	[tilespmem:s31], [sflag:$0x3] =	stream.indirect_vreg.gather [hbm4b:s6+s3], $0x80, v3, vm0, $0xb8;
	[tilespmem:$0x1C100] =	vst v63  }
0x61: {  	s12 =	simm.s32 $0xB900  }
0x62: {  	[tilespmem:s12], [sflag:$0x3] =	stream.indirect_vreg.gather [hbm4b:s7+s3], $0x80, v3, vm0, $0xb8;
	[tilespmem:$0x1C100] =	vst v63  }
0x63: {  	v3 =	vld [tilespmem:$0x30];
	_ =	sdelay $0x4  }
0x64: {  	v51 =	vshll.u32 v3, $0x3  }
0x65: {  	v3 =	vand.u32 $0x7, v3;
	v4 =	vand.u32 $0xFFFFFFC0, v51  }
0x66: {  	v3 =	vor.u32 v3, v4  }
0x67: {  	v4 =	vperm.xlane v3, v0;
	_ =	sdelay $0x1  }
0x68: {  	v4 =	vadd.s32 v1, v4;
	_ =	sdelay $0x3  }
0x69: {  	s21 =	simm.s32 $0xC100  }
0x6a: {  	[tilespmem:s21], [sflag:$0x4] =	stream.indirect_vreg.gather [hbm4b:s2+s3], $0x80, v4, vm0, $0xb8;
	[tilespmem:$0x1C100] =	vst v63  }
0x6b: {  	s24 =	simm.s32 $0xC900;
	v3 =	vperm.xlane v3, v2  }
0x6c: {  	[tilespmem:s24], [sflag:$0x4] =	stream.indirect_vreg.gather [hbm4b:s5+s3], $0x80, v4, vm0, $0xb8;
	[tilespmem:$0x1C100] =	vst v63  }
0x6d: {  	s15 =	simm.s32 $0xD100;
	v3 =	vadd.s32 v1, v3  }
0x6e: {  	[tilespmem:s15], [sflag:$0x4] =	stream.indirect_vreg.gather [hbm4b:s6+s3], $0x80, v4, vm0, $0xb8;
	[tilespmem:$0x1C100] =	vst v63  }
0x6f: {  	s16 =	simm.s32 $0xD900  }
0x70: {  	[tilespmem:s16], [sflag:$0x4] =	stream.indirect_vreg.gather [hbm4b:s7+s3], $0x80, v4, vm0, $0xb8;
	[tilespmem:$0x1C100] =	vst v63  }
0x71: {  	s17 =	simm.s32 $0xE100  }
0x72: {  	[tilespmem:s17], [sflag:$0x4] =	stream.indirect_vreg.gather [hbm4b:s2+s3], $0x80, v3, vm0, $0xb8;
	[tilespmem:$0x1C100] =	vst v63  }
0x73: {  	s19 =	simm.s32 $0xE900  }
0x74: {  	[tilespmem:s19], [sflag:$0x4] =	stream.indirect_vreg.gather [hbm4b:s5+s3], $0x80, v3, vm0, $0xb8;
	[tilespmem:$0x1C100] =	vst v63  }
0x75: {  	s20 =	simm.s32 $0xF100  }
0x76: {  	[tilespmem:s20], [sflag:$0x4] =	stream.indirect_vreg.gather [hbm4b:s6+s3], $0x80, v3, vm0, $0xb8;
	[tilespmem:$0x1C100] =	vst v63  }
0x77: {  	s21 =	simm.s32 $0xF900  }
0x78: {  	[tilespmem:s21], [sflag:$0x4] =	stream.indirect_vreg.gather [hbm4b:s7+s3], $0x80, v3, vm0, $0xb8;
	[tilespmem:$0x1C100] =	vst v63  }
0x79: {  	v3 =	vld [tilespmem:$0x40];
	_ =	sdelay $0x4  }
0x7a: {  	v52 =	vshll.u32 v3, $0x3  }
0x7b: {  	v3 =	vand.u32 $0x7, v3;
	v4 =	vand.u32 $0xFFFFFFC0, v52  }
0x7c: {  	v3 =	vor.u32 v3, v4  }
0x7d: {  	v4 =	vperm.xlane v3, v0;
	_ =	sdelay $0x1  }
0x7e: {  	v4 =	vadd.s32 v1, v4;
	_ =	sdelay $0x3  }
0x7f: {  	s22 =	simm.s32 $0x10100  }
0x80: {  	[tilespmem:s22], [sflag:$0x5] =	stream.indirect_vreg.gather [hbm4b:s2+s3], $0x80, v4, vm0, $0xb8;
	[tilespmem:$0x1C100] =	vst v63  }
0x81: {  	s23 =	simm.s32 $0x10900;
	v3 =	vperm.xlane v3, v2  }
0x82: {  	[tilespmem:s23], [sflag:$0x5] =	stream.indirect_vreg.gather [hbm4b:s5+s3], $0x80, v4, vm0, $0xb8;
	[tilespmem:$0x1C100] =	vst v63  }
0x83: {  	v3 =	vadd.s32 v1, v3;
	s22 =	simm.s32 $0x11100  }
0x84: {  	[tilespmem:s22], [sflag:$0x5] =	stream.indirect_vreg.gather [hbm4b:s6+s3], $0x80, v4, vm0, $0xb8;
	[tilespmem:$0x1C100] =	vst v63  }
0x85: {  	s23 =	simm.s32 $0x11900  }
0x86: {  	[tilespmem:s23], [sflag:$0x5] =	stream.indirect_vreg.gather [hbm4b:s7+s3], $0x80, v4, vm0, $0xb8;
	[tilespmem:$0x1C100] =	vst v63  }
0x87: {  	s22 =	simm.s32 $0x12100  }
0x88: {  	[tilespmem:s22], [sflag:$0x5] =	stream.indirect_vreg.gather [hbm4b:s2+s3], $0x80, v3, vm0, $0xb8;
	[tilespmem:$0x1C100] =	vst v63  }
0x89: {  	s23 =	simm.s32 $0x12900  }
0x8a: {  	[tilespmem:s23], [sflag:$0x5] =	stream.indirect_vreg.gather [hbm4b:s5+s3], $0x80, v3, vm0, $0xb8;
	[tilespmem:$0x1C100] =	vst v63  }
0x8b: {  	s22 =	simm.s32 $0x13100  }
0x8c: {  	[tilespmem:s22], [sflag:$0x5] =	stream.indirect_vreg.gather [hbm4b:s6+s3], $0x80, v3, vm0, $0xb8;
	[tilespmem:$0x1C100] =	vst v63  }
0x8d: {  	s23 =	simm.s32 $0x13900  }
0x8e: {  	[tilespmem:s23], [sflag:$0x5] =	stream.indirect_vreg.gather [hbm4b:s7+s3], $0x80, v3, vm0, $0xb8;
	[tilespmem:$0x1C100] =	vst v63  }
0x8f: {  	v3 =	vld [tilespmem:$0x50];
	_ =	sdelay $0x4  }
0x90: {  	v53 =	vshll.u32 v3, $0x3  }
0x91: {  	v3 =	vand.u32 $0x7, v3;
	v4 =	vand.u32 $0xFFFFFFC0, v53  }
0x92: {  	v3 =	vor.u32 v3, v4  }
0x93: {  	v4 =	vperm.xlane v3, v0;
	_ =	sdelay $0x1  }
0x94: {  	v4 =	vadd.s32 v1, v4;
	_ =	sdelay $0x3  }
0x95: {  	s22 =	simm.s32 $0x14100  }
0x96: {  	[tilespmem:s22], [sflag:$0x6] =	stream.indirect_vreg.gather [hbm4b:s2+s3], $0x80, v4, vm0, $0xb8;
	[tilespmem:$0x1C100] =	vst v63  }
0x97: {  	s23 =	simm.s32 $0x14900;
	v3 =	vperm.xlane v3, v2  }
0x98: {  	[tilespmem:s23], [sflag:$0x6] =	stream.indirect_vreg.gather [hbm4b:s5+s3], $0x80, v4, vm0, $0xb8;
	[tilespmem:$0x1C100] =	vst v63  }
0x99: {  	v3 =	vadd.s32 v1, v3;
	s22 =	simm.s32 $0x15100  }
0x9a: {  	[tilespmem:s22], [sflag:$0x6] =	stream.indirect_vreg.gather [hbm4b:s6+s3], $0x80, v4, vm0, $0xb8;
	[tilespmem:$0x1C100] =	vst v63  }
0x9b: {  	s23 =	simm.s32 $0x15900  }
0x9c: {  	[tilespmem:s23], [sflag:$0x6] =	stream.indirect_vreg.gather [hbm4b:s7+s3], $0x80, v4, vm0, $0xb8;
	[tilespmem:$0x1C100] =	vst v63  }
0x9d: {  	s22 =	simm.s32 $0x16100  }
0x9e: {  	[tilespmem:s22], [sflag:$0x6] =	stream.indirect_vreg.gather [hbm4b:s2+s3], $0x80, v3, vm0, $0xb8;
	[tilespmem:$0x1C100] =	vst v63  }
0x9f: {  	s23 =	simm.s32 $0x16900  }
0xa0: {  	[tilespmem:s23], [sflag:$0x6] =	stream.indirect_vreg.gather [hbm4b:s5+s3], $0x80, v3, vm0, $0xb8;
	[tilespmem:$0x1C100] =	vst v63  }
0xa1: {  	s22 =	simm.s32 $0x17100  }
0xa2: {  	[tilespmem:s22], [sflag:$0x6] =	stream.indirect_vreg.gather [hbm4b:s6+s3], $0x80, v3, vm0, $0xb8;
	[tilespmem:$0x1C100] =	vst v63  }
0xa3: {  	s23 =	simm.s32 $0x17900  }
0xa4: {  	[tilespmem:s23], [sflag:$0x6] =	stream.indirect_vreg.gather [hbm4b:s7+s3], $0x80, v3, vm0, $0xb8;
	[tilespmem:$0x1C100] =	vst v63  }
0xa5: {  	v3 =	vld [tilespmem:$0x60];
	_ =	sdelay $0x4  }
0xa6: {  	v54 =	vshll.u32 v3, $0x3  }
0xa7: {  	v3 =	vand.u32 $0x7, v3;
	v4 =	vand.u32 $0xFFFFFFC0, v54  }
0xa8: {  	v3 =	vor.u32 v3, v4  }
0xa9: {  	v4 =	vperm.xlane v3, v0;
	_ =	sdelay $0x1  }
0xaa: {  	v4 =	vadd.s32 v1, v4;
	_ =	sdelay $0x3  }
0xab: {  	s23 =	simm.s32 $0x18100  }
0xac: {  	[tilespmem:s23], [sflag:$0x7] =	stream.indirect_vreg.gather [hbm4b:s2+s3], $0x80, v4, vm0, $0xb8;
	[tilespmem:$0x1C100] =	vst v63  }
0xad: {  	s22 =	simm.s32 $0x18900;
	v3 =	vperm.xlane v3, v2  }
0xae: {  	[tilespmem:s22], [sflag:$0x7] =	stream.indirect_vreg.gather [hbm4b:s5+s3], $0x80, v4, vm0, $0xb8;
	[tilespmem:$0x1C100] =	vst v63  }
0xaf: {  	v3 =	vadd.s32 v1, v3;
	s22 =	simm.s32 $0x19100  }
0xb0: {  	[tilespmem:s22], [sflag:$0x7] =	stream.indirect_vreg.gather [hbm4b:s6+s3], $0x80, v4, vm0, $0xb8;
	[tilespmem:$0x1C100] =	vst v63  }
0xb1: {  	s22 =	simm.s32 $0x19900  }
0xb2: {  	[tilespmem:s22], [sflag:$0x7] =	stream.indirect_vreg.gather [hbm4b:s7+s3], $0x80, v4, vm0, $0xb8;
	[tilespmem:$0x1C100] =	vst v63  }
0xb3: {  	s22 =	simm.s32 $0x1A100  }
0xb4: {  	[tilespmem:s22], [sflag:$0x7] =	stream.indirect_vreg.gather [hbm4b:s2+s3], $0x80, v3, vm0, $0xb8;
	[tilespmem:$0x1C100] =	vst v63  }
0xb5: {  	s22 =	simm.s32 $0x1A900  }
0xb6: {  	[tilespmem:s22], [sflag:$0x7] =	stream.indirect_vreg.gather [hbm4b:s5+s3], $0x80, v3, vm0, $0xb8;
	[tilespmem:$0x1C100] =	vst v63  }
0xb7: {  	s22 =	simm.s32 $0x1B100  }
0xb8: {  	[tilespmem:s22], [sflag:$0x7] =	stream.indirect_vreg.gather [hbm4b:s6+s3], $0x80, v3, vm0, $0xb8;
	[tilespmem:$0x1C100] =	vst v63  }
0xb9: {  	s22 =	simm.s32 $0x1B900  }
0xba: {  	[tilespmem:s22], [sflag:$0x7] =	stream.indirect_vreg.gather [hbm4b:s7+s3], $0x80, v3, vm0, $0xb8;
	[tilespmem:$0x1C100] =	vst v63  }
0xbb: {  	_ =	swait.ge [sflag:s13], $0x4000  }
0xbc: {  	[sflag:s13] =	ssyncset.done $0x0  }
0xbd: {  	s0 =	rddreg [dreg:$0x16];
	[sflag:s13] =	ssyncadd.s32 $0xFFFFC000  }
0xbe: {  	[hbm4b:s0+s3] =	stream.linear.scatter [tilespmem:s18], [sflag:$0x8], $0x4000, $0x38;
	[tilespmem:$0x1C100] =	vst v63  }
0xbf: {  	_ =	swait.ge [sflag:s30], $0x4000  }
0xc0: {  	[sflag:s30] =	ssyncset.done $0x0  }
0xc1: {  	[sflag:s30] =	ssyncadd.s32 $0xFFFFC000  }
0xc2: {  	v3 =	vld [tilespmem:$0x70];
	_ =	sdelay $0x4  }
0xc3: {  	v55 =	vshll.u32 v3, $0x3  }
0xc4: {  	v3 =	vand.u32 $0x7, v3;
	v4 =	vand.u32 $0xFFFFFFC0, v55  }
0xc5: {  	v3 =	vor.u32 v3, v4  }
0xc6: {  	v4 =	vperm.xlane v3, v0;
	_ =	sdelay $0x1  }
0xc7: {  	v4 =	vadd.s32 v1, v4;
	_ =	sdelay $0x4  }
0xc8: {  	[tilespmem:s18], [sflag:$0x1] =	stream.indirect_vreg.gather [hbm4b:s2+s3], $0x80, v4, vm0, $0xb8;
	[tilespmem:$0x1C100] =	vst v63  }
0xc9: {  	s1 =	simm.s32 $0x900;
	v3 =	vperm.xlane v3, v2  }
0xca: {  	[tilespmem:s1], [sflag:$0x1] =	stream.indirect_vreg.gather [hbm4b:s5+s3], $0x80, v4, vm0, $0xb8;
	[tilespmem:$0x1C100] =	vst v63  }
0xcb: {  	v3 =	vadd.s32 v1, v3;
	s1 =	simm.s32 $0x1100  }
0xcc: {  	[tilespmem:s1], [sflag:$0x1] =	stream.indirect_vreg.gather [hbm4b:s6+s3], $0x80, v4, vm0, $0xb8;
	[tilespmem:$0x1C100] =	vst v63  }
0xcd: {  	s22 =	simm.s32 $0x1900  }
0xce: {  	[tilespmem:s22], [sflag:$0x1] =	stream.indirect_vreg.gather [hbm4b:s7+s3], $0x80, v4, vm0, $0xb8;
	[tilespmem:$0x1C100] =	vst v63  }
0xcf: {  	s1 =	simm.s32 $0x2100  }
0xd0: {  	[tilespmem:s1], [sflag:$0x1] =	stream.indirect_vreg.gather [hbm4b:s2+s3], $0x80, v3, vm0, $0xb8;
	[tilespmem:$0x1C100] =	vst v63  }
0xd1: {  	s22 =	simm.s32 $0x2900  }
0xd2: {  	[tilespmem:s22], [sflag:$0x1] =	stream.indirect_vreg.gather [hbm4b:s5+s3], $0x80, v3, vm0, $0xb8;
	[tilespmem:$0x1C100] =	vst v63  }
0xd3: {  	s1 =	simm.s32 $0x3100  }
0xd4: {  	[tilespmem:s1], [sflag:$0x1] =	stream.indirect_vreg.gather [hbm4b:s6+s3], $0x80, v3, vm0, $0xb8;
	[tilespmem:$0x1C100] =	vst v63  }
0xd5: {  	s14 =	simm.s32 $0x3900  }
0xd6: {  	[tilespmem:s14], [sflag:$0x1] =	stream.indirect_vreg.gather [hbm4b:s7+s3], $0x80, v3, vm0, $0xb8;
	[tilespmem:$0x1C100] =	vst v63  }
0xd7: {  	_ =	swait.ge [sflag:s4], $0x4000  }
0xd8: {  	[sflag:s4] =	ssyncset.done $0x0  }
0xd9: {  	s14 =	rddreg [dreg:$0x5];
	[sflag:s4] =	ssyncadd.s32 $0xFFFFC000  }
0xda: {  	[hbm4b:s14+s3] =	stream.linear.scatter [tilespmem:s10], [sflag:$0x9], $0x4000, $0x38;
	[tilespmem:$0x1C100] =	vst v63  }
0xdb: {  	_ =	swait.ge [sflag:s9], $0x4000  }
0xdc: {  	[sflag:s9] =	ssyncset.done $0x0  }
0xdd: {  	[sflag:s9] =	ssyncadd.s32 $0xFFFFC000  }
0xde: {  	v3 =	vld [tilespmem:$0x80];
	_ =	sdelay $0x4  }
0xdf: {  	v56 =	vshll.u32 v3, $0x3  }
0xe0: {  	v3 =	vand.u32 $0x7, v3;
	v4 =	vand.u32 $0xFFFFFFC0, v56  }
0xe1: {  	v3 =	vor.u32 v3, v4  }
0xe2: {  	v4 =	vperm.xlane v3, v0;
	_ =	sdelay $0x1  }
0xe3: {  	v4 =	vadd.s32 v1, v4;
	_ =	sdelay $0x4  }
0xe4: {  	[tilespmem:s10], [sflag:$0x2] =	stream.indirect_vreg.gather [hbm4b:s2+s3], $0x80, v4, vm0, $0xb8;
	[tilespmem:$0x1C100] =	vst v63  }
0xe5: {  	s22 =	simm.s32 $0x4900;
	v3 =	vperm.xlane v3, v2  }
0xe6: {  	[tilespmem:s22], [sflag:$0x2] =	stream.indirect_vreg.gather [hbm4b:s5+s3], $0x80, v4, vm0, $0xb8;
	[tilespmem:$0x1C100] =	vst v63  }
0xe7: {  	s1 =	simm.s32 $0x5100;
	v3 =	vadd.s32 v1, v3  }
0xe8: {  	[tilespmem:s1], [sflag:$0x2] =	stream.indirect_vreg.gather [hbm4b:s6+s3], $0x80, v4, vm0, $0xb8;
	[tilespmem:$0x1C100] =	vst v63  }
0xe9: {  	s14 =	simm.s32 $0x5900  }
0xea: {  	[tilespmem:s14], [sflag:$0x2] =	stream.indirect_vreg.gather [hbm4b:s7+s3], $0x80, v4, vm0, $0xb8;
	[tilespmem:$0x1C100] =	vst v63  }
0xeb: {  	s22 =	simm.s32 $0x6100  }
0xec: {  	[tilespmem:s22], [sflag:$0x2] =	stream.indirect_vreg.gather [hbm4b:s2+s3], $0x80, v3, vm0, $0xb8;
	[tilespmem:$0x1C100] =	vst v63  }
0xed: {  	s1 =	simm.s32 $0x6900  }
0xee: {  	[tilespmem:s1], [sflag:$0x2] =	stream.indirect_vreg.gather [hbm4b:s5+s3], $0x80, v3, vm0, $0xb8;
	[tilespmem:$0x1C100] =	vst v63  }
0xef: {  	s14 =	simm.s32 $0x7100  }
0xf0: {  	[tilespmem:s14], [sflag:$0x2] =	stream.indirect_vreg.gather [hbm4b:s6+s3], $0x80, v3, vm0, $0xb8;
	[tilespmem:$0x1C100] =	vst v63  }
0xf1: {  	s0 =	simm.s32 $0x3;
	s22 =	simm.s32 $0x7900  }
0xf2: {  	[tilespmem:s22], [sflag:$0x2] =	stream.indirect_vreg.gather [hbm4b:s7+s3], $0x80, v3, vm0, $0xb8;
	[tilespmem:$0x1C100] =	vst v63  }
0xf3: {  	_ =	swait.ge [sflag:s0], $0x4000  }
0xf4: {  	[sflag:s0] =	ssyncset.done $0x0  }
0xf5: {  	s14 =	simm.s32 $0x8100;
	s1 =	rddreg [dreg:$0x6];
	[sflag:s0] =	ssyncadd.s32 $0xFFFFC000  }
0xf6: {  	[hbm4b:s1+s3] =	stream.linear.scatter [tilespmem:s14], [sflag:$0xA], $0x4000, $0x38;
	[tilespmem:$0x1C100] =	vst v63  }
0xf7: {  	s1 =	simm.s32 $0xA  }
0xf8: {  	_ =	swait.ge [sflag:s1], $0x4000  }
0xf9: {  	[sflag:s1] =	ssyncset.done $0x0  }
0xfa: {  	[sflag:s1] =	ssyncadd.s32 $0xFFFFC000  }
0xfb: {  	v3 =	vld [tilespmem:$0x90];
	_ =	sdelay $0x4  }
0xfc: {  	v57 =	vshll.u32 v3, $0x3  }
0xfd: {  	v3 =	vand.u32 $0x7, v3;
	v4 =	vand.u32 $0xFFFFFFC0, v57  }
0xfe: {  	v3 =	vor.u32 v3, v4  }
0xff: {  	v4 =	vperm.xlane v3, v0;
	_ =	sdelay $0x1  }
0x100: {  	v4 =	vadd.s32 v1, v4;
	_ =	sdelay $0x4  }
0x101: {  	[tilespmem:s14], [sflag:$0x3] =	stream.indirect_vreg.gather [hbm4b:s2+s3], $0x80, v4, vm0, $0xb8;
	[tilespmem:$0x1C100] =	vst v63  }
0x102: {  	v3 =	vperm.xlane v3, v2  }
0x103: {  	[tilespmem:s28], [sflag:$0x3] =	stream.indirect_vreg.gather [hbm4b:s5+s3], $0x80, v4, vm0, $0xb8;
	[tilespmem:$0x1C100] =	vst v63  }
0x104: {  	v3 =	vadd.s32 v1, v3  }
0x105: {  	[tilespmem:s11], [sflag:$0x3] =	stream.indirect_vreg.gather [hbm4b:s6+s3], $0x80, v4, vm0, $0xb8;
	[tilespmem:$0x1C100] =	vst v63  }
0x106: {  	_ = 	snop  }
0x107: {  	[tilespmem:s25], [sflag:$0x3] =	stream.indirect_vreg.gather [hbm4b:s7+s3], $0x80, v4, vm0, $0xb8;
	[tilespmem:$0x1C100] =	vst v63  }
0x108: {  	_ = 	snop  }
0x109: {  	[tilespmem:s26], [sflag:$0x3] =	stream.indirect_vreg.gather [hbm4b:s2+s3], $0x80, v3, vm0, $0xb8;
	[tilespmem:$0x1C100] =	vst v63  }
0x10a: {  	_ = 	snop  }
0x10b: {  	[tilespmem:s29], [sflag:$0x3] =	stream.indirect_vreg.gather [hbm4b:s5+s3], $0x80, v3, vm0, $0xb8;
	[tilespmem:$0x1C100] =	vst v63  }
0x10c: {  	_ = 	snop  }
0x10d: {  	[tilespmem:s31], [sflag:$0x3] =	stream.indirect_vreg.gather [hbm4b:s6+s3], $0x80, v3, vm0, $0xb8;
	[tilespmem:$0x1C100] =	vst v63  }
0x10e: {  	s11 =	simm.s32 $0x4  }
0x10f: {  	[tilespmem:s12], [sflag:$0x3] =	stream.indirect_vreg.gather [hbm4b:s7+s3], $0x80, v3, vm0, $0xb8;
	[tilespmem:$0x1C100] =	vst v63  }
0x110: {  	_ =	swait.ge [sflag:s11], $0x4000  }
0x111: {  	s25 =	simm.s32 $0xC100;
	[sflag:s11] =	ssyncset.done $0x0  }
0x112: {  	s12 =	simm.s32 $0xB;
	s14 =	rddreg [dreg:$0x7];
	[sflag:s11] =	ssyncadd.s32 $0xFFFFC000  }
0x113: {  	[hbm4b:s14+s3] =	stream.linear.scatter [tilespmem:s25], [sflag:$0xB], $0x4000, $0x38;
	[tilespmem:$0x1C100] =	vst v63  }
0x114: {  	_ =	swait.ge [sflag:s12], $0x4000  }
0x115: {  	[sflag:s12] =	ssyncset.done $0x0  }
0x116: {  	[sflag:s12] =	ssyncadd.s32 $0xFFFFC000  }
0x117: {  	v3 =	vld [tilespmem:$0xA0];
	_ =	sdelay $0x4  }
0x118: {  	v58 =	vshll.u32 v3, $0x3  }
0x119: {  	v3 =	vand.u32 $0x7, v3;
	v4 =	vand.u32 $0xFFFFFFC0, v58  }
0x11a: {  	v3 =	vor.u32 v3, v4  }
0x11b: {  	v4 =	vperm.xlane v3, v0;
	_ =	sdelay $0x1  }
0x11c: {  	v4 =	vadd.s32 v1, v4;
	_ =	sdelay $0x4  }
0x11d: {  	[tilespmem:s25], [sflag:$0x4] =	stream.indirect_vreg.gather [hbm4b:s2+s3], $0x80, v4, vm0, $0xb8;
	[tilespmem:$0x1C100] =	vst v63  }
0x11e: {  	v3 =	vperm.xlane v3, v2  }
0x11f: {  	[tilespmem:s24], [sflag:$0x4] =	stream.indirect_vreg.gather [hbm4b:s5+s3], $0x80, v4, vm0, $0xb8;
	[tilespmem:$0x1C100] =	vst v63  }
0x120: {  	v3 =	vadd.s32 v1, v3  }
0x121: {  	[tilespmem:s15], [sflag:$0x4] =	stream.indirect_vreg.gather [hbm4b:s6+s3], $0x80, v4, vm0, $0xb8;
	[tilespmem:$0x1C100] =	vst v63  }
0x122: {  	_ = 	snop  }
0x123: {  	[tilespmem:s16], [sflag:$0x4] =	stream.indirect_vreg.gather [hbm4b:s7+s3], $0x80, v4, vm0, $0xb8;
	[tilespmem:$0x1C100] =	vst v63  }
0x124: {  	_ = 	snop  }
0x125: {  	[tilespmem:s17], [sflag:$0x4] =	stream.indirect_vreg.gather [hbm4b:s2+s3], $0x80, v3, vm0, $0xb8;
	[tilespmem:$0x1C100] =	vst v63  }
0x126: {  	_ = 	snop  }
0x127: {  	[tilespmem:s19], [sflag:$0x4] =	stream.indirect_vreg.gather [hbm4b:s5+s3], $0x80, v3, vm0, $0xb8;
	[tilespmem:$0x1C100] =	vst v63  }
0x128: {  	_ = 	snop  }
0x129: {  	[tilespmem:s20], [sflag:$0x4] =	stream.indirect_vreg.gather [hbm4b:s6+s3], $0x80, v3, vm0, $0xb8;
	[tilespmem:$0x1C100] =	vst v63  }
0x12a: {  	s15 =	simm.s32 $0x5  }
0x12b: {  	[tilespmem:s21], [sflag:$0x4] =	stream.indirect_vreg.gather [hbm4b:s7+s3], $0x80, v3, vm0, $0xb8;
	[tilespmem:$0x1C100] =	vst v63  }
0x12c: {  	_ =	swait.ge [sflag:s15], $0x4000  }
0x12d: {  	s24 =	simm.s32 $0x10100;
	[sflag:s15] =	ssyncset.done $0x0  }
0x12e: {  	s16 =	simm.s32 $0xC;
	s21 =	rddreg [dreg:$0x8];
	[sflag:s15] =	ssyncadd.s32 $0xFFFFC000  }
0x12f: {  	[hbm4b:s21+s3] =	stream.linear.scatter [tilespmem:s24], [sflag:$0xC], $0x4000, $0x38;
	[tilespmem:$0x1C100] =	vst v63  }
0x130: {  	_ =	swait.ge [sflag:s16], $0x4000  }
0x131: {  	[sflag:s16] =	ssyncset.done $0x0  }
0x132: {  	[sflag:s16] =	ssyncadd.s32 $0xFFFFC000  }
0x133: {  	v3 =	vld [tilespmem:$0xB0];
	_ =	sdelay $0x4  }
0x134: {  	v59 =	vshll.u32 v3, $0x3  }
0x135: {  	v3 =	vand.u32 $0x7, v3;
	v4 =	vand.u32 $0xFFFFFFC0, v59  }
0x136: {  	v3 =	vor.u32 v3, v4  }
0x137: {  	v4 =	vperm.xlane v3, v0;
	_ =	sdelay $0x1  }
0x138: {  	v4 =	vadd.s32 v1, v4;
	_ =	sdelay $0x4  }
0x139: {  	[tilespmem:s24], [sflag:$0x5] =	stream.indirect_vreg.gather [hbm4b:s2+s3], $0x80, v4, vm0, $0xb8;
	[tilespmem:$0x1C100] =	vst v63  }
0x13a: {  	s25 =	simm.s32 $0x10900;
	v3 =	vperm.xlane v3, v2  }
0x13b: {  	[tilespmem:s25], [sflag:$0x5] =	stream.indirect_vreg.gather [hbm4b:s5+s3], $0x80, v4, vm0, $0xb8;
	[tilespmem:$0x1C100] =	vst v63  }
0x13c: {  	s19 =	simm.s32 $0x11100;
	v3 =	vadd.s32 v1, v3  }
0x13d: {  	[tilespmem:s19], [sflag:$0x5] =	stream.indirect_vreg.gather [hbm4b:s6+s3], $0x80, v4, vm0, $0xb8;
	[tilespmem:$0x1C100] =	vst v63  }
0x13e: {  	s20 =	simm.s32 $0x11900  }
0x13f: {  	[tilespmem:s20], [sflag:$0x5] =	stream.indirect_vreg.gather [hbm4b:s7+s3], $0x80, v4, vm0, $0xb8;
	[tilespmem:$0x1C100] =	vst v63  }
0x140: {  	s21 =	simm.s32 $0x12100  }
0x141: {  	[tilespmem:s21], [sflag:$0x5] =	stream.indirect_vreg.gather [hbm4b:s2+s3], $0x80, v3, vm0, $0xb8;
	[tilespmem:$0x1C100] =	vst v63  }
0x142: {  	s22 =	simm.s32 $0x12900  }
0x143: {  	[tilespmem:s22], [sflag:$0x5] =	stream.indirect_vreg.gather [hbm4b:s5+s3], $0x80, v3, vm0, $0xb8;
	[tilespmem:$0x1C100] =	vst v63  }
0x144: {  	s25 =	simm.s32 $0x13100  }
0x145: {  	[tilespmem:s25], [sflag:$0x5] =	stream.indirect_vreg.gather [hbm4b:s6+s3], $0x80, v3, vm0, $0xb8;
	[tilespmem:$0x1C100] =	vst v63  }
0x146: {  	s17 =	simm.s32 $0x6;
	s19 =	simm.s32 $0x13900  }
0x147: {  	[tilespmem:s19], [sflag:$0x5] =	stream.indirect_vreg.gather [hbm4b:s7+s3], $0x80, v3, vm0, $0xb8;
	[tilespmem:$0x1C100] =	vst v63  }
0x148: {  	_ =	swait.ge [sflag:s17], $0x4000  }
0x149: {  	s21 =	simm.s32 $0x14100;
	[sflag:s17] =	ssyncset.done $0x0  }
0x14a: {  	s19 =	simm.s32 $0xD;
	s20 =	rddreg [dreg:$0x9];
	[sflag:s17] =	ssyncadd.s32 $0xFFFFC000  }
0x14b: {  	[hbm4b:s20+s3] =	stream.linear.scatter [tilespmem:s21], [sflag:$0xD], $0x4000, $0x38;
	[tilespmem:$0x1C100] =	vst v63  }
0x14c: {  	_ =	swait.ge [sflag:s19], $0x4000  }
0x14d: {  	[sflag:s19] =	ssyncset.done $0x0  }
0x14e: {  	[sflag:s19] =	ssyncadd.s32 $0xFFFFC000  }
0x14f: {  	v3 =	vld [tilespmem:$0xC0];
	_ =	sdelay $0x4  }
0x150: {  	v60 =	vshll.u32 v3, $0x3  }
0x151: {  	v3 =	vand.u32 $0x7, v3;
	v4 =	vand.u32 $0xFFFFFFC0, v60  }
0x152: {  	v3 =	vor.u32 v3, v4  }
0x153: {  	v4 =	vperm.xlane v3, v0;
	_ =	sdelay $0x1  }
0x154: {  	v4 =	vadd.s32 v1, v4;
	_ =	sdelay $0x4  }
0x155: {  	[tilespmem:s21], [sflag:$0x6] =	stream.indirect_vreg.gather [hbm4b:s2+s3], $0x80, v4, vm0, $0xb8;
	[tilespmem:$0x1C100] =	vst v63  }
0x156: {  	s22 =	simm.s32 $0x14900;
	v3 =	vperm.xlane v3, v2  }
0x157: {  	[tilespmem:s22], [sflag:$0x6] =	stream.indirect_vreg.gather [hbm4b:s5+s3], $0x80, v4, vm0, $0xb8;
	[tilespmem:$0x1C100] =	vst v63  }
0x158: {  	v3 =	vadd.s32 v1, v3;
	s21 =	simm.s32 $0x15100  }
0x159: {  	[tilespmem:s21], [sflag:$0x6] =	stream.indirect_vreg.gather [hbm4b:s6+s3], $0x80, v4, vm0, $0xb8;
	[tilespmem:$0x1C100] =	vst v63  }
0x15a: {  	s22 =	simm.s32 $0x15900  }
0x15b: {  	[tilespmem:s22], [sflag:$0x6] =	stream.indirect_vreg.gather [hbm4b:s7+s3], $0x80, v4, vm0, $0xb8;
	[tilespmem:$0x1C100] =	vst v63  }
0x15c: {  	s21 =	simm.s32 $0x16100  }
0x15d: {  	[tilespmem:s21], [sflag:$0x6] =	stream.indirect_vreg.gather [hbm4b:s2+s3], $0x80, v3, vm0, $0xb8;
	[tilespmem:$0x1C100] =	vst v63  }
0x15e: {  	s22 =	simm.s32 $0x16900  }
0x15f: {  	[tilespmem:s22], [sflag:$0x6] =	stream.indirect_vreg.gather [hbm4b:s5+s3], $0x80, v3, vm0, $0xb8;
	[tilespmem:$0x1C100] =	vst v63  }
0x160: {  	s21 =	simm.s32 $0x17100  }
0x161: {  	[tilespmem:s21], [sflag:$0x6] =	stream.indirect_vreg.gather [hbm4b:s6+s3], $0x80, v3, vm0, $0xb8;
	[tilespmem:$0x1C100] =	vst v63  }
0x162: {  	s20 =	simm.s32 $0x7;
	s22 =	simm.s32 $0x17900  }
0x163: {  	[tilespmem:s22], [sflag:$0x6] =	stream.indirect_vreg.gather [hbm4b:s7+s3], $0x80, v3, vm0, $0xb8;
	[tilespmem:$0x1C100] =	vst v63  }
0x164: {  	_ =	swait.ge [sflag:s20], $0x4000  }
0x165: {  	[sflag:s20] =	ssyncset.done $0x0  }
0x166: {  	s21 =	rddreg [dreg:$0xa];
	[sflag:s20] =	ssyncadd.s32 $0xFFFFC000  }
0x167: {  	[hbm4b:s21+s3] =	stream.linear.scatter [tilespmem:s23], [sflag:$0xE], $0x4000, $0x38;
	[tilespmem:$0x1C100] =	vst v63  }
0x168: {  	s21 =	simm.s32 $0xE  }
0x169: {  	_ =	swait.ge [sflag:s21], $0x4000  }
0x16a: {  	[sflag:s21] =	ssyncset.done $0x0  }
0x16b: {  	[sflag:s21] =	ssyncadd.s32 $0xFFFFC000  }
0x16c: {  	v3 =	vld [tilespmem:$0xD0];
	_ =	sdelay $0x4  }
0x16d: {  	v61 =	vshll.u32 v3, $0x3  }
0x16e: {  	v3 =	vand.u32 $0x7, v3;
	v4 =	vand.u32 $0xFFFFFFC0, v61  }
0x16f: {  	v3 =	vor.u32 v3, v4  }
0x170: {  	v4 =	vperm.xlane v3, v0;
	_ =	sdelay $0x1  }
0x171: {  	v4 =	vadd.s32 v1, v4;
	_ =	sdelay $0x4  }
0x172: {  	[tilespmem:s23], [sflag:$0x7] =	stream.indirect_vreg.gather [hbm4b:s2+s3], $0x80, v4, vm0, $0xb8;
	[tilespmem:$0x1C100] =	vst v63  }
0x173: {  	s22 =	simm.s32 $0x18900;
	v3 =	vperm.xlane v3, v2  }
0x174: {  	[tilespmem:s22], [sflag:$0x7] =	stream.indirect_vreg.gather [hbm4b:s5+s3], $0x80, v4, vm0, $0xb8;
	[tilespmem:$0x1C100] =	vst v63  }
0x175: {  	v3 =	vadd.s32 v1, v3;
	s22 =	simm.s32 $0x19100  }
0x176: {  	[tilespmem:s22], [sflag:$0x7] =	stream.indirect_vreg.gather [hbm4b:s6+s3], $0x80, v4, vm0, $0xb8;
	[tilespmem:$0x1C100] =	vst v63  }
0x177: {  	s22 =	simm.s32 $0x19900  }
0x178: {  	[tilespmem:s22], [sflag:$0x7] =	stream.indirect_vreg.gather [hbm4b:s7+s3], $0x80, v4, vm0, $0xb8;
	[tilespmem:$0x1C100] =	vst v63  }
0x179: {  	s22 =	simm.s32 $0x1A100  }
0x17a: {  	[tilespmem:s22], [sflag:$0x7] =	stream.indirect_vreg.gather [hbm4b:s2+s3], $0x80, v3, vm0, $0xb8;
	[tilespmem:$0x1C100] =	vst v63  }
0x17b: {  	s22 =	simm.s32 $0x1A900  }
0x17c: {  	[tilespmem:s22], [sflag:$0x7] =	stream.indirect_vreg.gather [hbm4b:s5+s3], $0x80, v3, vm0, $0xb8;
	[tilespmem:$0x1C100] =	vst v63  }
0x17d: {  	s22 =	simm.s32 $0x1B100  }
0x17e: {  	[tilespmem:s22], [sflag:$0x7] =	stream.indirect_vreg.gather [hbm4b:s6+s3], $0x80, v3, vm0, $0xb8;
	[tilespmem:$0x1C100] =	vst v63  }
0x17f: {  	s22 =	simm.s32 $0x1B900  }
0x180: {  	[tilespmem:s22], [sflag:$0x7] =	stream.indirect_vreg.gather [hbm4b:s7+s3], $0x80, v3, vm0, $0xb8;
	[tilespmem:$0x1C100] =	vst v63  }
0x181: {  	_ =	swait.ge [sflag:s13], $0x4000  }
0x182: {  	[sflag:s13] =	ssyncset.done $0x0  }
0x183: {  	s22 =	rddreg [dreg:$0xb];
	[sflag:s13] =	ssyncadd.s32 $0xFFFFC000  }
0x184: {  	[hbm4b:s22+s3] =	stream.linear.scatter [tilespmem:s18], [sflag:$0x8], $0x4000, $0x38;
	[tilespmem:$0x1C100] =	vst v63  }
0x185: {  	_ =	swait.ge [sflag:s30], $0x4000  }
0x186: {  	[sflag:s30] =	ssyncset.done $0x0  }
0x187: {  	[sflag:s30] =	ssyncadd.s32 $0xFFFFC000  }
0x188: {  	v3 =	vld [tilespmem:$0xE0];
	_ =	sdelay $0x4  }
0x189: {  	v62 =	vshll.u32 v3, $0x3  }
0x18a: {  	v3 =	vand.u32 $0x7, v3;
	v4 =	vand.u32 $0xFFFFFFC0, v62  }
0x18b: {  	v3 =	vor.u32 v3, v4  }
0x18c: {  	v4 =	vperm.xlane v3, v0;
	_ =	sdelay $0x1  }
0x18d: {  	v4 =	vadd.s32 v1, v4;
	_ =	sdelay $0x4  }
0x18e: {  	[tilespmem:s18], [sflag:$0x1] =	stream.indirect_vreg.gather [hbm4b:s2+s3], $0x80, v4, vm0, $0xb8;
	[tilespmem:$0x1C100] =	vst v63  }
0x18f: {  	s22 =	simm.s32 $0x900;
	v3 =	vperm.xlane v3, v2  }
0x190: {  	[tilespmem:s22], [sflag:$0x1] =	stream.indirect_vreg.gather [hbm4b:s5+s3], $0x80, v4, vm0, $0xb8;
	[tilespmem:$0x1C100] =	vst v63  }
0x191: {  	v3 =	vadd.s32 v1, v3;
	s22 =	simm.s32 $0x1100  }
0x192: {  	[tilespmem:s22], [sflag:$0x1] =	stream.indirect_vreg.gather [hbm4b:s6+s3], $0x80, v4, vm0, $0xb8;
	[tilespmem:$0x1C100] =	vst v63  }
0x193: {  	s22 =	simm.s32 $0x1900  }
0x194: {  	[tilespmem:s22], [sflag:$0x1] =	stream.indirect_vreg.gather [hbm4b:s7+s3], $0x80, v4, vm0, $0xb8;
	[tilespmem:$0x1C100] =	vst v63  }
0x195: {  	s22 =	simm.s32 $0x2100  }
0x196: {  	[tilespmem:s22], [sflag:$0x1] =	stream.indirect_vreg.gather [hbm4b:s2+s3], $0x80, v3, vm0, $0xb8;
	[tilespmem:$0x1C100] =	vst v63  }
0x197: {  	s22 =	simm.s32 $0x2900  }
0x198: {  	[tilespmem:s22], [sflag:$0x1] =	stream.indirect_vreg.gather [hbm4b:s5+s3], $0x80, v3, vm0, $0xb8;
	[tilespmem:$0x1C100] =	vst v63  }
0x199: {  	s22 =	simm.s32 $0x3100  }
0x19a: {  	[tilespmem:s22], [sflag:$0x1] =	stream.indirect_vreg.gather [hbm4b:s6+s3], $0x80, v3, vm0, $0xb8;
	[tilespmem:$0x1C100] =	vst v63  }
0x19b: {  	s22 =	simm.s32 $0x3900  }
0x19c: {  	[tilespmem:s22], [sflag:$0x1] =	stream.indirect_vreg.gather [hbm4b:s7+s3], $0x80, v3, vm0, $0xb8;
	[tilespmem:$0x1C100] =	vst v63  }
0x19d: {  	_ =	swait.ge [sflag:s4], $0x4000  }
0x19e: {  	[sflag:s4] =	ssyncset.done $0x0  }
0x19f: {  	s22 =	rddreg [dreg:$0xc];
	[sflag:s4] =	ssyncadd.s32 $0xFFFFC000  }
0x1a0: {  	[hbm4b:s22+s3] =	stream.linear.scatter [tilespmem:s10], [sflag:$0x9], $0x4000, $0x38;
	[tilespmem:$0x1C100] =	vst v63  }
0x1a1: {  	_ =	swait.ge [sflag:s9], $0x4000  }
0x1a2: {  	[sflag:s9] =	ssyncset.done $0x0  }
0x1a3: {  	[sflag:s9] =	ssyncadd.s32 $0xFFFFC000  }
0x1a4: {  	v3 =	vld [tilespmem:$0xF0];
	_ =	sdelay $0x4  }
0x1a5: {  	v63 =	vshll.u32 v3, $0x3  }
0x1a6: {  	v3 =	vand.u32 $0x7, v3;
	v4 =	vand.u32 $0xFFFFFFC0, v63  }
0x1a7: {  	v3 =	vor.u32 v3, v4  }
0x1a8: {  	v4 =	vperm.xlane v3, v0;
	_ =	sdelay $0x1  }
0x1a9: {  	v4 =	vadd.s32 v1, v4;
	_ =	sdelay $0x4  }
0x1aa: {  	[tilespmem:s10], [sflag:$0x2] =	stream.indirect_vreg.gather [hbm4b:s2+s3], $0x80, v4, vm0, $0xb8;
	[tilespmem:$0x1C100] =	vst v63  }
0x1ab: {  	s22 =	simm.s32 $0x4900;
	v3 =	vperm.xlane v3, v2  }
0x1ac: {  	[tilespmem:s22], [sflag:$0x2] =	stream.indirect_vreg.gather [hbm4b:s5+s3], $0x80, v4, vm0, $0xb8;
	[tilespmem:$0x1C100] =	vst v63  }
0x1ad: {  	v3 =	vadd.s32 v1, v3;
	s22 =	simm.s32 $0x5100  }
0x1ae: {  	[tilespmem:s22], [sflag:$0x2] =	stream.indirect_vreg.gather [hbm4b:s6+s3], $0x80, v4, vm0, $0xb8;
	[tilespmem:$0x1C100] =	vst v63  }
0x1af: {  	s22 =	simm.s32 $0x5900  }
0x1b0: {  	[tilespmem:s22], [sflag:$0x2] =	stream.indirect_vreg.gather [hbm4b:s7+s3], $0x80, v4, vm0, $0xb8;
	[tilespmem:$0x1C100] =	vst v63  }
0x1b1: {  	s22 =	simm.s32 $0x6100  }
0x1b2: {  	[tilespmem:s22], [sflag:$0x2] =	stream.indirect_vreg.gather [hbm4b:s2+s3], $0x80, v3, vm0, $0xb8;
	[tilespmem:$0x1C100] =	vst v63  }
0x1b3: {  	s22 =	simm.s32 $0x6900  }
0x1b4: {  	[tilespmem:s22], [sflag:$0x2] =	stream.indirect_vreg.gather [hbm4b:s5+s3], $0x80, v3, vm0, $0xb8;
	[tilespmem:$0x1C100] =	vst v63  }
0x1b5: {  	s22 =	simm.s32 $0x7100  }
0x1b6: {  	[tilespmem:s22], [sflag:$0x2] =	stream.indirect_vreg.gather [hbm4b:s6+s3], $0x80, v3, vm0, $0xb8;
	[tilespmem:$0x1C100] =	vst v63  }
0x1b7: {  	s22 =	simm.s32 $0x7900  }
0x1b8: {  	[tilespmem:s22], [sflag:$0x2] =	stream.indirect_vreg.gather [hbm4b:s7+s3], $0x80, v3, vm0, $0xb8;
	[tilespmem:$0x1C100] =	vst v63  }
0x1b9: {  	_ =	swait.ge [sflag:s0], $0x4000  }
0x1ba: {  	[sflag:s0] =	ssyncset.done $0x0  }
0x1bb: {  	s22 =	rddreg [dreg:$0xd];
	[sflag:s0] =	ssyncadd.s32 $0xFFFFC000;
	s0 =	simm.s32 $0x8100  }
0x1bc: {  	[hbm4b:s22+s3] =	stream.linear.scatter [tilespmem:s0], [sflag:$0xA], $0x4000, $0x38;
	[tilespmem:$0x1C100] =	vst v63  }
0x1bd: {  	_ =	swait.ge [sflag:s11], $0x4000  }
0x1be: {  	[sflag:s11] =	ssyncset.done $0x0  }
0x1bf: {  	s14 =	simm.s32 $0xC100;
	s0 =	rddreg [dreg:$0xe];
	[sflag:s11] =	ssyncadd.s32 $0xFFFFC000  }
0x1c0: {  	[hbm4b:s0+s3] =	stream.linear.scatter [tilespmem:s14], [sflag:$0xB], $0x4000, $0x38;
	[tilespmem:$0x1C100] =	vst v63  }
0x1c1: {  	_ =	swait.ge [sflag:s15], $0x4000  }
0x1c2: {  	[sflag:s15] =	ssyncset.done $0x0  }
0x1c3: {  	s24 =	simm.s32 $0x10100;
	s14 =	rddreg [dreg:$0xf];
	[sflag:s15] =	ssyncadd.s32 $0xFFFFC000  }
0x1c4: {  	[hbm4b:s14+s3] =	stream.linear.scatter [tilespmem:s24], [sflag:$0xC], $0x4000, $0x38;
	[tilespmem:$0x1C100] =	vst v63  }
0x1c5: {  	_ =	swait.ge [sflag:s17], $0x4000  }
0x1c6: {  	[sflag:s17] =	ssyncset.done $0x0  }
0x1c7: {  	s25 =	simm.s32 $0x14100;
	s15 =	rddreg [dreg:$0x10];
	[sflag:s17] =	ssyncadd.s32 $0xFFFFC000  }
0x1c8: {  	[hbm4b:s15+s3] =	stream.linear.scatter [tilespmem:s25], [sflag:$0xD], $0x4000, $0x38;
	[tilespmem:$0x1C100] =	vst v63  }
0x1c9: {  	_ =	swait.ge [sflag:s20], $0x4000  }
0x1ca: {  	[sflag:s20] =	ssyncset.done $0x0  }
0x1cb: {  	s17 =	rddreg [dreg:$0x11];
	[sflag:s20] =	ssyncadd.s32 $0xFFFFC000  }
0x1cc: {  	[hbm4b:s17+s3] =	stream.linear.scatter [tilespmem:s23], [sflag:$0xE], $0x4000, $0x38;
	[tilespmem:$0x1C100] =	vst v63  }
0x1cd: {  	_ =	swait.ge [sflag:s13], $0x4000  }
0x1ce: {  	[sflag:s13] =	ssyncset.done $0x0  }
0x1cf: {  	s24 =	rddreg [dreg:$0x12];
	[sflag:s13] =	ssyncadd.s32 $0xFFFFC000  }
0x1d0: {  	[hbm4b:s24+s3] =	stream.linear.scatter [tilespmem:s18], [sflag:$0x8], $0x4000, $0x38;
	[tilespmem:$0x1C100] =	vst v63  }
0x1d1: {  	_ =	swait.ge [sflag:s4], $0x4000  }
0x1d2: {  	[sflag:s4] =	ssyncset.done $0x0  }
0x1d3: {  	s25 =	rddreg [dreg:$0x13];
	[sflag:s4] =	ssyncadd.s32 $0xFFFFC000  }
0x1d4: {  	[hbm4b:s25+s3] =	stream.linear.scatter [tilespmem:s10], [sflag:$0x9], $0x4000, $0x38;
	[tilespmem:$0x1C100] =	vst v63  }
0x1d5: {  	_ =	swait.ge [sflag:s1], $0x4000  }
0x1d6: {  	[sflag:s1] =	ssyncset.done $0x0  }
0x1d7: {  	[sflag:s1] =	ssyncadd.s32 $0xFFFFC000  }
0x1d8: {  	_ =	swait.ge [sflag:s12], $0x4000  }
0x1d9: {  	[sflag:s12] =	ssyncset.done $0x0  }
0x1da: {  	[sflag:s12] =	ssyncadd.s32 $0xFFFFC000  }
0x1db: {  	_ =	swait.ge [sflag:s16], $0x4000  }
0x1dc: {  	[sflag:s16] =	ssyncset.done $0x0  }
0x1dd: {  	[sflag:s16] =	ssyncadd.s32 $0xFFFFC000  }
0x1de: {  	_ =	swait.ge [sflag:s19], $0x4000  }
0x1df: {  	[sflag:s19] =	ssyncset.done $0x0  }
0x1e0: {  	[sflag:s19] =	ssyncadd.s32 $0xFFFFC000  }
0x1e1: {  	_ =	swait.ge [sflag:s21], $0x4000  }
0x1e2: {  	[sflag:s21] =	ssyncset.done $0x0  }
0x1e3: {  	[sflag:s21] =	ssyncadd.s32 $0xFFFFC000  }
0x1e4: {  	p0 =	sne.s32 s8, $0x1;
	_ =	swait.ge [sflag:s30], $0x4000  }
.Ltmp0:
0x1e5: {  	[sflag:s30] =	ssyncset.done $0x0;
	(pc) =	sbr.rel @p0 .LBB2_1-.Ltmp0, $4  }
0x1e6: {  	[sflag:s30] =	ssyncadd.s32 $0xFFFFC000  }
0x1e7: {  	_ =	swait.ge [sflag:s9], $0x4000  }
0x1e8: {  	[sflag:s9] =	ssyncset.done $0x0  }
0x1e9: {  	s8 =	sadd.s32 $0xFFFFFFFF, s8;
	[sflag:s9] =	ssyncadd.s32 $0xFFFFC000  }
0x1ea: {  	_ =	sfence.sel $0x180000  }
0x1eb: {  	[bflag:$0x0] =	sbarrier.arrive $0xFFFF  }
0x1ec: {  	_ =	strace $0x90000047  }
0x1ed: {  	s0 =	stileid.u32;
	[bflag:$0x2] =	sbarrier.arrive $0xFFFF  }
0x1ee: {  	p0 =	sne.s32 s0, $0x0;
	s0 =	rddreg [dreg:$0x3]  }
0x1ef: {  	s0 =	sadd.s32 @!p0 $0x100000, s0  }
0x1f0: {  	[sflag:s0] =	ssyncadd.tile.s32 @!p0 $0x1;
	_ =	shalt  }
.Lfunc_end2:
_tile_overlayer_lowered:
.L_overlay_start_2:
0x1f1: {  	(tag) =	ssettag $0x2  }
0x1f2: {  	s0 =	rddreg [dreg:$0x0];
	s2 =	stileid.u32  }
0x1f3: {  	s1 =	rddreg [dreg:$0x1];
	p0 =	sne.s32 s2, $0x0  }
0x1f4: {  	s3 =	rddreg [dreg:$0x2];
	[bflag:$0x3] =	sbarrier.arrive $0xFFFF;
	s2 =	simm.s32 @!p0 $0x1C0F  }
0x1f5: {  	[timem:s3], [sflag:s2] =	dma.local @!p0 [hbm:s0], s1  }
0x1f6: {  	s0 =	simm.s32 @!p0 $0xF  }
0x1f7: {  	_ =	swait.ge @!p0 [sflag:s0], s1  }
0x1f8: {  	s1 =	ssub.s32 @!p0 $0x0, s1;
	[sflag:s0] =	ssyncset.done @!p0 $0x0  }
0x1f9: {  	[sflag:s0] =	ssyncadd.s32 @!p0 s1  }
0x1fa: {  	[bflag:$0x3] =	sbarrier.arrive $0xFFFF  }
0x1fb: {  	_ =	shalt  }

</sc_bundles>
